<compile_context>
chip_gen: v7x
topology: tpu7x:2x2x1
jax: 0.10.2.dev20260603
libtpu: 0.0.44.dev20260713+nightly
codegen_flags: <defaults>
</compile_context>

<pallas_src>
import functools

import jax
import jax.numpy as jnp
from jax import lax
from jax.experimental import pallas as pl
from jax.experimental.pallas import tpu as pltpu
from jax.experimental.pallas import tpu_sc as plsc

N_NODES = 10000
N_EDGES = 160000
D_IN = 256
D_OUT = 512

H = 128
NC = 2
NS = 16
B = 80
EPT = N_EDGES // NS
NB = EPT // B
AROWS = N_NODES + 8
K = 3
IK = 6
NZT = 16
SLAB = N_NODES // NZT


def _sc_aggregate(xg, ef, zrows, zcol, ones1):
    mesh = plsc.VectorSubcoreMesh(
        core_axis_name="c", subcore_axis_name="s", num_cores=NC,
        num_subcores=NS)

    @functools.partial(
        pl.kernel,
        out_type=(jax.ShapeDtypeStruct((NC * N_NODES, H), jnp.float32),
                  jax.ShapeDtypeStruct((N_NODES, 16), jnp.float32)),
        mesh=mesh,
        scratch_types=[
            pltpu.VMEM_SHARED((AROWS, H), jnp.float32),
            pltpu.VMEM_SHARED((AROWS, 16), jnp.float32),
            pltpu.VMEM((IK, B), jnp.int32),
            pltpu.VMEM((IK, B), jnp.int32),
            pltpu.VMEM((K, B), jnp.int32),
            pltpu.VMEM((K, B, H), jnp.float32),
            pltpu.VMEM((B, 16), jnp.float32),
            pltpu.SemaphoreType.DMA((IK,)),
            pltpu.SemaphoreType.DMA((K,)),
            pltpu.SemaphoreType.DMA((K,)),
            pltpu.SemaphoreType.DMA,
        ],
        compiler_params=pltpu.CompilerParams(use_tc_tiling_on_sc=False),
    )
    def agg(xg_hbm, e_hbm, z_hbm, zc_hbm, ones_hbm, out_hbm, cnt_hbm,
            acc, cac, row_r, col_r, gix_r, feat_r, ones_v,
            isem, gsem, ssem, csem):
        c = lax.axis_index("c")
        s = lax.axis_index("s")

        def start_idx(b, p):
            off = s * EPT + b * B
            pltpu.async_copy(e_hbm.at[pl.ds(off, B)], row_r.at[p],
                             isem.at[p])
            pltpu.async_copy(e_hbm.at[pl.ds(N_EDGES + off, B)],
                             col_r.at[p], isem.at[p])

        def wait_idx(p):
            pltpu.make_async_copy(e_hbm.at[pl.ds(0, B)], row_r.at[p],
                                  isem.at[p]).wait()
            pltpu.make_async_copy(e_hbm.at[pl.ds(0, B)], col_r.at[p],
                                  isem.at[p]).wait()

        def start_gather(p, ip):
            for j in range(B // 16):
                c16 = col_r[ip, pl.ds(j * 16, 16)]
                gix_r[p, pl.ds(j * 16, 16)] = c16 * 2 + c
            pltpu.async_copy(xg_hbm.at[gix_r.at[p]], feat_r.at[p],
                             gsem.at[p])

        def wait_gather(p):
            pltpu.make_async_copy(xg_hbm.at[gix_r.at[p]], feat_r.at[p],
                                  gsem.at[p]).wait()

        def wait_scatter(p):
            pltpu.make_async_copy(feat_r.at[p], acc.at[row_r.at[0]],
                                  ssem.at[p]).wait()

        for p in range(IK):
            start_idx(p, p)
        pltpu.sync_copy(ones_hbm, ones_v)

        @pl.when(s < NZT)
        def _():
            pltpu.sync_copy(z_hbm, acc.at[pl.ds(s * SLAB, SLAB)])

        @pl.when((s < NZT) & (c == 0))
        def _():
            pltpu.sync_copy(zc_hbm, cac.at[pl.ds(s * SLAB, SLAB)])
        plsc.subcore_barrier()
        for t in range(2):
            wait_idx(t)
            start_gather(t, t)

        def body(b, carry):
            p = lax.rem(b, K)
            ip = lax.rem(b, IK)

            @pl.when(b >= 1)
            def _():
                wait_scatter(lax.rem(b - 1, K))

                @pl.when(b - 1 + IK < NB)
                def _():
                    start_idx(b - 1 + IK, lax.rem(b - 1, IK))

            @pl.when(b + 2 < NB)
            def _():
                iq = lax.rem(b + 2, IK)
                wait_idx(iq)
                start_gather(lax.rem(b + 2, K), iq)
            wait_gather(p)
            pltpu.async_copy(feat_r.at[p], acc.at[row_r.at[ip]],
                             ssem.at[p], add=True)

            @pl.when(c == 0)
            def _():
                pltpu.async_copy(ones_v, cac.at[row_r.at[ip]], csem,
                                 add=True)
            return carry

        lax.fori_loop(0, NB, body, 0)
        wait_scatter(lax.rem(NB - 1, K))

        def drain(b, carry):
            pltpu.make_async_copy(ones_v, cac.at[row_r.at[0]], csem).wait()
            return carry

        @pl.when(c == 0)
        def _():
            lax.fori_loop(0, NB, drain, 0)
        plsc.subcore_barrier()

        @pl.when(s < NZT)
        def _():
            pltpu.sync_copy(acc.at[pl.ds(s * SLAB, SLAB)],
                            out_hbm.at[pl.ds(c * N_NODES + s * SLAB, SLAB)])

        @pl.when((s < NZT) & (c == 0))
        def _():
            pltpu.sync_copy(cac.at[pl.ds(s * SLAB, SLAB)],
                            cnt_hbm.at[pl.ds(s * SLAB, SLAB)])

    return agg(xg, ef, zrows, zcol, ones1)


def _tc_combine(x, feat, cnt, W_self, W_nei, b_self2, b_nei2):
    R = 2000
    NR = N_NODES // R

    def body(x_ref, lo_ref, hi_ref, cnt_ref, ws_ref, wn_ref, bs_ref,
             bn_ref, o_ref):
        inv = 1.0 / (cnt_ref[...][:, :1] + 1e-12)
        nlo = lo_ref[...] * inv
        nhi = hi_ref[...] * inv
        xb = x_ref[...]
        ws = ws_ref[...]
        wn = wn_ref[...]
        dn = (((1,), (1,)), ((), ()))
        h = lax.dot_general(xb, ws, dn,
                            preferred_element_type=jnp.float32)
        h = h + lax.dot_general(nlo, wn[:, :H], dn,
                                preferred_element_type=jnp.float32)
        h = h + lax.dot_general(nhi, wn[:, H:], dn,
                                preferred_element_type=jnp.float32)
        h = h + bs_ref[...] + bn_ref[...]
        o_ref[...] = jnp.maximum(h, 0.0)

    return pl.pallas_call(
        body,
        grid=(NR,),
        in_specs=[
            pl.BlockSpec((R, D_IN), lambda i: (i, 0)),
            pl.BlockSpec((R, H), lambda i: (i, 0)),
            pl.BlockSpec((R, H), lambda i: (NR + i, 0)),
            pl.BlockSpec((R, 16), lambda i: (i, 0)),
            pl.BlockSpec((D_OUT, D_IN), lambda i: (0, 0)),
            pl.BlockSpec((D_OUT, D_IN), lambda i: (0, 0)),
            pl.BlockSpec((1, D_OUT), lambda i: (0, 0)),
            pl.BlockSpec((1, D_OUT), lambda i: (0, 0)),
        ],
        out_specs=pl.BlockSpec((R, D_OUT), lambda i: (i, 0)),
        out_shape=jax.ShapeDtypeStruct((N_NODES, D_OUT), jnp.float32),
    )(x, feat, feat, cnt, W_self, W_nei, b_self2, b_nei2)


def kernel(x, edge_index, W_self, b_self, W_nei, b_nei):
    ef = edge_index.astype(jnp.int32).reshape(2 * N_EDGES)
    xg = x.reshape(2 * N_NODES, H)
    zrows = jnp.zeros((SLAB, H), jnp.float32)
    zcol = jnp.zeros((SLAB, 16), jnp.float32)
    ones1 = jnp.ones((B, 16), jnp.float32)
    feat, cnt = _sc_aggregate(xg, ef, zrows, zcol, ones1)
    return _tc_combine(x, feat, cnt, W_self, W_nei,
                       b_self.reshape(1, D_OUT), b_nei.reshape(1, D_OUT))

# --- scband reference (transcript-rebuilt; emitter-appended) ---
"""Pipeline reference for scband-sageconv-75033078661164 (READ-ONLY COPY).

The authoritative reference and input builder live on the scoring server;
editing this copy changes nothing except your own understanding.
"""

import jax, jax.numpy as jnp
import numpy as np

N_NODES = 10000
N_EDGES = 160000
D_IN = 256
D_OUT = 512

def setup_inputs(seed: int = 0) -> dict:
    key = jax.random.key(seed)
    k1, k2, k3, k4, k5, k6 = jax.random.split(key, 6)
    x = jax.random.normal(k1, (N_NODES, D_IN), dtype=jnp.float32)
    edge_index = jax.random.randint(k2, (2, N_EDGES), 0, N_NODES, dtype=jnp.int64)
    bound = 1.0 / np.sqrt(D_IN)
    W_self = jax.random.uniform(k3, (D_OUT, D_IN), minval=-bound, maxval=bound, dtype=jnp.float32)
    b_self = jax.random.uniform(k4, (D_OUT,), minval=-bound, maxval=bound, dtype=jnp.float32)
    W_nei = jax.random.uniform(k5, (D_OUT, D_IN), minval=-bound, maxval=bound, dtype=jnp.float32)
    b_nei = jax.random.uniform(k6, (D_OUT,), minval=-bound, maxval=bound, dtype=jnp.float32)
    return {"x": x, "edge_index": edge_index, "W_self": W_self, "b_self": b_self, "W_nei": W_nei, "b_nei": b_nei}

def reference(x, edge_index, W_self, b_self, W_nei, b_nei):
    row = edge_index[0]
    col = edge_index[1]
    m = jnp.take(x, col, axis=0)
    nei_sum = jax.ops.segment_sum(m, row, num_segments=x.shape[0])
    ones = jnp.ones((edge_index.shape[1], 1), dtype=x.dtype)
    cnt = jax.ops.segment_sum(ones, row, num_segments=x.shape[0])
    nei = nei_sum / (cnt + 1e-12)
    h = x @ W_self.T + b_self + nei @ W_nei.T + b_nei
    return jax.nn.relu(h)

if __name__ == "__main__":
    import jax
    _d = setup_inputs()
    print(jax.jit(kernel)(*tuple(_d.values())))

</pallas_src>

<mosaic_0001>
#map = affine_map<(d0, d1) -> (0, 0)>
#map1 = affine_map<(d0, d1) -> (0)>
module attributes {stable_mosaic.version = 14 : i64} {
  func.func @agg(%arg0: i32, %arg1: i32, %arg2: memref<20000x128xf32, #tpu.memory_space<hbm>>, %arg3: memref<320000xi32, #tpu.memory_space<hbm>>, %arg4: memref<625x128xf32, #tpu.memory_space<hbm>>, %arg5: memref<625x16xf32, #tpu.memory_space<hbm>>, %arg6: memref<80x16xf32, #tpu.memory_space<hbm>>, %arg7: memref<20000x128xf32, #tpu.memory_space<hbm>>, %arg8: memref<10000x16xf32, #tpu.memory_space<hbm>>, %arg9: memref<10008x128xf32, #tpu.memory_space<vmem_shared>>, %arg10: memref<10008x16xf32, #tpu.memory_space<vmem_shared>>, %arg11: memref<6x80xi32, #tpu.memory_space<vmem>>, %arg12: memref<6x80xi32, #tpu.memory_space<vmem>>, %arg13: memref<3x80xi32, #tpu.memory_space<vmem>>, %arg14: memref<3x80x128xf32, #tpu.memory_space<vmem>>, %arg15: memref<80x16xf32, #tpu.memory_space<vmem>>, %arg16: memref<6x!tpu.dma_semaphore, #tpu.memory_space<semaphore_mem>>, %arg17: memref<3x!tpu.dma_semaphore, #tpu.memory_space<semaphore_mem>>, %arg18: memref<3x!tpu.dma_semaphore, #tpu.memory_space<semaphore_mem>>, %arg19: memref<!tpu.dma_semaphore, #tpu.memory_space<semaphore_mem>>) attributes {dimension_semantics = [#tpu.dimension_semantics<core_parallel>, #tpu.dimension_semantics<subcore_parallel>], iteration_bounds = array<i64: 2, 16>, scalar_prefetch = 0 : i64, scratch_operands = 11 : i64, tpu.core_type = #tpu.core_type<sc_vector_subcore>, window_params = [{transform_indices = #map}, {transform_indices = #map1}, {transform_indices = #map}, {transform_indices = #map}, {transform_indices = #map}, {transform_indices = #map}, {transform_indices = #map}]} {
    %mul3A = arith.constant 10000 : i32
    %mul3A_0 = arith.muli %arg1, %mul3A : i32
    %add3A = arith.constant 0 : i32
    %add3A_1 = arith.addi %mul3A_0, %add3A : i32
    %dma_start3A = arith.constant 0 : i32
    %dma_start3A_2 = arith.constant 0 : i32
    %dma_start3A_3 = arith.constant 0 : i32
    %dma_start3A_4 = tpu.memref_slice %arg11[%dma_start3A, %dma_start3A_3] : memref<6x80xi32, #tpu.memory_space<vmem>> -> memref<1x80xi32, #tpu.memory_space<vmem>>
    %dma_start3A_5 = tpu.memref_squeeze %dma_start3A_4 : memref<1x80xi32, #tpu.memory_space<vmem>> -> memref<80xi32, #tpu.memory_space<vmem>>
    %dma_start3A_6 = tpu.memref_slice %arg3[%add3A_1] : memref<320000xi32, #tpu.memory_space<hbm>> -> memref<80xi32, #tpu.memory_space<hbm>>
    %dma_start3A_7 = tpu.memref_slice %arg16[%dma_start3A_2] : memref<6x!tpu.dma_semaphore, #tpu.memory_space<semaphore_mem>> -> memref<1x!tpu.dma_semaphore, #tpu.memory_space<semaphore_mem>>
    %dma_start3A_8 = tpu.memref_squeeze %dma_start3A_7 : memref<1x!tpu.dma_semaphore, #tpu.memory_space<semaphore_mem>> -> memref<!tpu.dma_semaphore, #tpu.memory_space<semaphore_mem>>
    %dma_start3A_9 = arith.constant 0 : i32
    %dma_start3A_10 = tpu.memref_slice %arg11[%dma_start3A, %dma_start3A_9] : memref<6x80xi32, #tpu.memory_space<vmem>> -> memref<1x80xi32, #tpu.memory_space<vmem>>
    %dma_start3A_11 = tpu.memref_squeeze %dma_start3A_10 : memref<1x80xi32, #tpu.memory_space<vmem>> -> memref<80xi32, #tpu.memory_space<vmem>>
    %dma_start3A_12 = tpu.memref_slice %arg3[%add3A_1] : memref<320000xi32, #tpu.memory_space<hbm>> -> memref<80xi32, #tpu.memory_space<hbm>>
    tpu.enqueue_dma source(%dma_start3A_12 : memref<80xi32, #tpu.memory_space<hbm>>) target(%dma_start3A_11 : memref<80xi32, #tpu.memory_space<vmem>>) target_semaphore(%dma_start3A_8 : memref<!tpu.dma_semaphore, #tpu.memory_space<semaphore_mem>>)
    %add3A_13 = arith.constant 160000 : i32
    %add3A_14 = arith.addi %add3A_13, %add3A_1 : i32
    %dma_start3A_15 = arith.constant 0 : i32
    %dma_start3A_16 = arith.constant 0 : i32
    %dma_start3A_17 = arith.constant 0 : i32
    %dma_start3A_18 = tpu.memref_slice %arg12[%dma_start3A_15, %dma_start3A_17] : memref<6x80xi32, #tpu.memory_space<vmem>> -> memref<1x80xi32, #tpu.memory_space<vmem>>
    %dma_start3A_19 = tpu.memref_squeeze %dma_start3A_18 : memref<1x80xi32, #tpu.memory_space<vmem>> -> memref<80xi32, #tpu.memory_space<vmem>>
    %dma_start3A_20 = tpu.memref_slice %arg3[%add3A_14] : memref<320000xi32, #tpu.memory_space<hbm>> -> memref<80xi32, #tpu.memory_space<hbm>>
    %dma_start3A_21 = tpu.memref_slice %arg16[%dma_start3A_16] : memref<6x!tpu.dma_semaphore, #tpu.memory_space<semaphore_mem>> -> memref<1x!tpu.dma_semaphore, #tpu.memory_space<semaphore_mem>>
    %dma_start3A_22 = tpu.memref_squeeze %dma_start3A_21 : memref<1x!tpu.dma_semaphore, #tpu.memory_space<semaphore_mem>> -> memref<!tpu.dma_semaphore, #tpu.memory_space<semaphore_mem>>
    %dma_start3A_23 = arith.constant 0 : i32
    %dma_start3A_24 = tpu.memref_slice %arg12[%dma_start3A_15, %dma_start3A_23] : memref<6x80xi32, #tpu.memory_space<vmem>> -> memref<1x80xi32, #tpu.memory_space<vmem>>
    %dma_start3A_25 = tpu.memref_squeeze %dma_start3A_24 : memref<1x80xi32, #tpu.memory_space<vmem>> -> memref<80xi32, #tpu.memory_space<vmem>>
    %dma_start3A_26 = tpu.memref_slice %arg3[%add3A_14] : memref<320000xi32, #tpu.memory_space<hbm>> -> memref<80xi32, #tpu.memory_space<hbm>>
    tpu.enqueue_dma source(%dma_start3A_26 : memref<80xi32, #tpu.memory_space<hbm>>) target(%dma_start3A_25 : memref<80xi32, #tpu.memory_space<vmem>>) target_semaphore(%dma_start3A_22 : memref<!tpu.dma_semaphore, #tpu.memory_space<semaphore_mem>>)
    %mul3A_27 = arith.constant 10000 : i32
    %mul3A_28 = arith.muli %arg1, %mul3A_27 : i32
    %add3A_29 = arith.constant 80 : i32
    %add3A_30 = arith.addi %mul3A_28, %add3A_29 : i32
    %dma_start3A_31 = arith.constant 1 : i32
    %dma_start3A_32 = arith.constant 1 : i32
    %dma_start3A_33 = arith.constant 0 : i32
    %dma_start3A_34 = tpu.memref_slice %arg11[%dma_start3A_31, %dma_start3A_33] : memref<6x80xi32, #tpu.memory_space<vmem>> -> memref<1x80xi32, #tpu.memory_space<vmem>>
    %dma_start3A_35 = tpu.memref_squeeze %dma_start3A_34 : memref<1x80xi32, #tpu.memory_space<vmem>> -> memref<80xi32, #tpu.memory_space<vmem>>
    %dma_start3A_36 = tpu.memref_slice %arg3[%add3A_30] : memref<320000xi32, #tpu.memory_space<hbm>> -> memref<80xi32, #tpu.memory_space<hbm>>
    %dma_start3A_37 = tpu.memref_slice %arg16[%dma_start3A_32] : memref<6x!tpu.dma_semaphore, #tpu.memory_space<semaphore_mem>> -> memref<1x!tpu.dma_semaphore, #tpu.memory_space<semaphore_mem>>
    %dma_start3A_38 = tpu.memref_squeeze %dma_start3A_37 : memref<1x!tpu.dma_semaphore, #tpu.memory_space<semaphore_mem>> -> memref<!tpu.dma_semaphore, #tpu.memory_space<semaphore_mem>>
    %dma_start3A_39 = arith.constant 0 : i32
    %dma_start3A_40 = tpu.memref_slice %arg11[%dma_start3A_31, %dma_start3A_39] : memref<6x80xi32, #tpu.memory_space<vmem>> -> memref<1x80xi32, #tpu.memory_space<vmem>>
    %dma_start3A_41 = tpu.memref_squeeze %dma_start3A_40 : memref<1x80xi32, #tpu.memory_space<vmem>> -> memref<80xi32, #tpu.memory_space<vmem>>
    %dma_start3A_42 = tpu.memref_slice %arg3[%add3A_30] : memref<320000xi32, #tpu.memory_space<hbm>> -> memref<80xi32, #tpu.memory_space<hbm>>
    tpu.enqueue_dma source(%dma_start3A_42 : memref<80xi32, #tpu.memory_space<hbm>>) target(%dma_start3A_41 : memref<80xi32, #tpu.memory_space<vmem>>) target_semaphore(%dma_start3A_38 : memref<!tpu.dma_semaphore, #tpu.memory_space<semaphore_mem>>)
    %add3A_43 = arith.constant 160000 : i32
    %add3A_44 = arith.addi %add3A_43, %add3A_30 : i32
    %dma_start3A_45 = arith.constant 1 : i32
    %dma_start3A_46 = arith.constant 1 : i32
    %dma_start3A_47 = arith.constant 0 : i32
    %dma_start3A_48 = tpu.memref_slice %arg12[%dma_start3A_45, %dma_start3A_47] : memref<6x80xi32, #tpu.memory_space<vmem>> -> memref<1x80xi32, #tpu.memory_space<vmem>>
    %dma_start3A_49 = tpu.memref_squeeze %dma_start3A_48 : memref<1x80xi32, #tpu.memory_space<vmem>> -> memref<80xi32, #tpu.memory_space<vmem>>
    %dma_start3A_50 = tpu.memref_slice %arg3[%add3A_44] : memref<320000xi32, #tpu.memory_space<hbm>> -> memref<80xi32, #tpu.memory_space<hbm>>
    %dma_start3A_51 = tpu.memref_slice %arg16[%dma_start3A_46] : memref<6x!tpu.dma_semaphore, #tpu.memory_space<semaphore_mem>> -> memref<1x!tpu.dma_semaphore, #tpu.memory_space<semaphore_mem>>
    %dma_start3A_52 = tpu.memref_squeeze %dma_start3A_51 : memref<1x!tpu.dma_semaphore, #tpu.memory_space<semaphore_mem>> -> memref<!tpu.dma_semaphore, #tpu.memory_space<semaphore_mem>>
    %dma_start3A_53 = arith.constant 0 : i32
    %dma_start3A_54 = tpu.memref_slice %arg12[%dma_start3A_45, %dma_start3A_53] : memref<6x80xi32, #tpu.memory_space<vmem>> -> memref<1x80xi32, #tpu.memory_space<vmem>>
    %dma_start3A_55 = tpu.memref_squeeze %dma_start3A_54 : memref<1x80xi32, #tpu.memory_space<vmem>> -> memref<80xi32, #tpu.memory_space<vmem>>
    %dma_start3A_56 = tpu.memref_slice %arg3[%add3A_44] : memref<320000xi32, #tpu.memory_space<hbm>> -> memref<80xi32, #tpu.memory_space<hbm>>
    tpu.enqueue_dma source(%dma_start3A_56 : memref<80xi32, #tpu.memory_space<hbm>>) target(%dma_start3A_55 : memref<80xi32, #tpu.memory_space<vmem>>) target_semaphore(%dma_start3A_52 : memref<!tpu.dma_semaphore, #tpu.memory_space<semaphore_mem>>)
    %mul3A_57 = arith.constant 10000 : i32
    %mul3A_58 = arith.muli %arg1, %mul3A_57 : i32
    %add3A_59 = arith.constant 160 : i32
    %add3A_60 = arith.addi %mul3A_58, %add3A_59 : i32
    %dma_start3A_61 = arith.constant 2 : i32
    %dma_start3A_62 = arith.constant 2 : i32
    %dma_start3A_63 = arith.constant 0 : i32
    %dma_start3A_64 = tpu.memref_slice %arg11[%dma_start3A_61, %dma_start3A_63] : memref<6x80xi32, #tpu.memory_space<vmem>> -> memref<1x80xi32, #tpu.memory_space<vmem>>
    %dma_start3A_65 = tpu.memref_squeeze %dma_start3A_64 : memref<1x80xi32, #tpu.memory_space<vmem>> -> memref<80xi32, #tpu.memory_space<vmem>>
    %dma_start3A_66 = tpu.memref_slice %arg3[%add3A_60] : memref<320000xi32, #tpu.memory_space<hbm>> -> memref<80xi32, #tpu.memory_space<hbm>>
    %dma_start3A_67 = tpu.memref_slice %arg16[%dma_start3A_62] : memref<6x!tpu.dma_semaphore, #tpu.memory_space<semaphore_mem>> -> memref<1x!tpu.dma_semaphore, #tpu.memory_space<semaphore_mem>>
    %dma_start3A_68 = tpu.memref_squeeze %dma_start3A_67 : memref<1x!tpu.dma_semaphore, #tpu.memory_space<semaphore_mem>> -> memref<!tpu.dma_semaphore, #tpu.memory_space<semaphore_mem>>
    %dma_start3A_69 = arith.constant 0 : i32
    %dma_start3A_70 = tpu.memref_slice %arg11[%dma_start3A_61, %dma_start3A_69] : memref<6x80xi32, #tpu.memory_space<vmem>> -> memref<1x80xi32, #tpu.memory_space<vmem>>
    %dma_start3A_71 = tpu.memref_squeeze %dma_start3A_70 : memref<1x80xi32, #tpu.memory_space<vmem>> -> memref<80xi32, #tpu.memory_space<vmem>>
    %dma_start3A_72 = tpu.memref_slice %arg3[%add3A_60] : memref<320000xi32, #tpu.memory_space<hbm>> -> memref<80xi32, #tpu.memory_space<hbm>>
    tpu.enqueue_dma source(%dma_start3A_72 : memref<80xi32, #tpu.memory_space<hbm>>) target(%dma_start3A_71 : memref<80xi32, #tpu.memory_space<vmem>>) target_semaphore(%dma_start3A_68 : memref<!tpu.dma_semaphore, #tpu.memory_space<semaphore_mem>>)
    %add3A_73 = arith.constant 160000 : i32
    %add3A_74 = arith.addi %add3A_73, %add3A_60 : i32
    %dma_start3A_75 = arith.constant 2 : i32
    %dma_start3A_76 = arith.constant 2 : i32
    %dma_start3A_77 = arith.constant 0 : i32
    %dma_start3A_78 = tpu.memref_slice %arg12[%dma_start3A_75, %dma_start3A_77] : memref<6x80xi32, #tpu.memory_space<vmem>> -> memref<1x80xi32, #tpu.memory_space<vmem>>
    %dma_start3A_79 = tpu.memref_squeeze %dma_start3A_78 : memref<1x80xi32, #tpu.memory_space<vmem>> -> memref<80xi32, #tpu.memory_space<vmem>>
    %dma_start3A_80 = tpu.memref_slice %arg3[%add3A_74] : memref<320000xi32, #tpu.memory_space<hbm>> -> memref<80xi32, #tpu.memory_space<hbm>>
    %dma_start3A_81 = tpu.memref_slice %arg16[%dma_start3A_76] : memref<6x!tpu.dma_semaphore, #tpu.memory_space<semaphore_mem>> -> memref<1x!tpu.dma_semaphore, #tpu.memory_space<semaphore_mem>>
    %dma_start3A_82 = tpu.memref_squeeze %dma_start3A_81 : memref<1x!tpu.dma_semaphore, #tpu.memory_space<semaphore_mem>> -> memref<!tpu.dma_semaphore, #tpu.memory_space<semaphore_mem>>
    %dma_start3A_83 = arith.constant 0 : i32
    %dma_start3A_84 = tpu.memref_slice %arg12[%dma_start3A_75, %dma_start3A_83] : memref<6x80xi32, #tpu.memory_space<vmem>> -> memref<1x80xi32, #tpu.memory_space<vmem>>
    %dma_start3A_85 = tpu.memref_squeeze %dma_start3A_84 : memref<1x80xi32, #tpu.memory_space<vmem>> -> memref<80xi32, #tpu.memory_space<vmem>>
    %dma_start3A_86 = tpu.memref_slice %arg3[%add3A_74] : memref<320000xi32, #tpu.memory_space<hbm>> -> memref<80xi32, #tpu.memory_space<hbm>>
    tpu.enqueue_dma source(%dma_start3A_86 : memref<80xi32, #tpu.memory_space<hbm>>) target(%dma_start3A_85 : memref<80xi32, #tpu.memory_space<vmem>>) target_semaphore(%dma_start3A_82 : memref<!tpu.dma_semaphore, #tpu.memory_space<semaphore_mem>>)
    %mul3A_87 = arith.constant 10000 : i32
    %mul3A_88 = arith.muli %arg1, %mul3A_87 : i32
    %add3A_89 = arith.constant 240 : i32
    %add3A_90 = arith.addi %mul3A_88, %add3A_89 : i32
    %dma_start3A_91 = arith.constant 3 : i32
    %dma_start3A_92 = arith.constant 3 : i32
    %dma_start3A_93 = arith.constant 0 : i32
    %dma_start3A_94 = tpu.memref_slice %arg11[%dma_start3A_91, %dma_start3A_93] : memref<6x80xi32, #tpu.memory_space<vmem>> -> memref<1x80xi32, #tpu.memory_space<vmem>>
    %dma_start3A_95 = tpu.memref_squeeze %dma_start3A_94 : memref<1x80xi32, #tpu.memory_space<vmem>> -> memref<80xi32, #tpu.memory_space<vmem>>
    %dma_start3A_96 = tpu.memref_slice %arg3[%add3A_90] : memref<320000xi32, #tpu.memory_space<hbm>> -> memref<80xi32, #tpu.memory_space<hbm>>
    %dma_start3A_97 = tpu.memref_slice %arg16[%dma_start3A_92] : memref<6x!tpu.dma_semaphore, #tpu.memory_space<semaphore_mem>> -> memref<1x!tpu.dma_semaphore, #tpu.memory_space<semaphore_mem>>
    %dma_start3A_98 = tpu.memref_squeeze %dma_start3A_97 : memref<1x!tpu.dma_semaphore, #tpu.memory_space<semaphore_mem>> -> memref<!tpu.dma_semaphore, #tpu.memory_space<semaphore_mem>>
    %dma_start3A_99 = arith.constant 0 : i32
    %dma_start3A_100 = tpu.memref_slice %arg11[%dma_start3A_91, %dma_start3A_99] : memref<6x80xi32, #tpu.memory_space<vmem>> -> memref<1x80xi32, #tpu.memory_space<vmem>>
    %dma_start3A_101 = tpu.memref_squeeze %dma_start3A_100 : memref<1x80xi32, #tpu.memory_space<vmem>> -> memref<80xi32, #tpu.memory_space<vmem>>
    %dma_start3A_102 = tpu.memref_slice %arg3[%add3A_90] : memref<320000xi32, #tpu.memory_space<hbm>> -> memref<80xi32, #tpu.memory_space<hbm>>
    tpu.enqueue_dma source(%dma_start3A_102 : memref<80xi32, #tpu.memory_space<hbm>>) target(%dma_start3A_101 : memref<80xi32, #tpu.memory_space<vmem>>) target_semaphore(%dma_start3A_98 : memref<!tpu.dma_semaphore, #tpu.memory_space<semaphore_mem>>)
    %add3A_103 = arith.constant 160000 : i32
    %add3A_104 = arith.addi %add3A_103, %add3A_90 : i32
    %dma_start3A_105 = arith.constant 3 : i32
    %dma_start3A_106 = arith.constant 3 : i32
    %dma_start3A_107 = arith.constant 0 : i32
    %dma_start3A_108 = tpu.memref_slice %arg12[%dma_start3A_105, %dma_start3A_107] : memref<6x80xi32, #tpu.memory_space<vmem>> -> memref<1x80xi32, #tpu.memory_space<vmem>>
    %dma_start3A_109 = tpu.memref_squeeze %dma_start3A_108 : memref<1x80xi32, #tpu.memory_space<vmem>> -> memref<80xi32, #tpu.memory_space<vmem>>
    %dma_start3A_110 = tpu.memref_slice %arg3[%add3A_104] : memref<320000xi32, #tpu.memory_space<hbm>> -> memref<80xi32, #tpu.memory_space<hbm>>
    %dma_start3A_111 = tpu.memref_slice %arg16[%dma_start3A_106] : memref<6x!tpu.dma_semaphore, #tpu.memory_space<semaphore_mem>> -> memref<1x!tpu.dma_semaphore, #tpu.memory_space<semaphore_mem>>
    %dma_start3A_112 = tpu.memref_squeeze %dma_start3A_111 : memref<1x!tpu.dma_semaphore, #tpu.memory_space<semaphore_mem>> -> memref<!tpu.dma_semaphore, #tpu.memory_space<semaphore_mem>>
    %dma_start3A_113 = arith.constant 0 : i32
    %dma_start3A_114 = tpu.memref_slice %arg12[%dma_start3A_105, %dma_start3A_113] : memref<6x80xi32, #tpu.memory_space<vmem>> -> memref<1x80xi32, #tpu.memory_space<vmem>>
    %dma_start3A_115 = tpu.memref_squeeze %dma_start3A_114 : memref<1x80xi32, #tpu.memory_space<vmem>> -> memref<80xi32, #tpu.memory_space<vmem>>
    %dma_start3A_116 = tpu.memref_slice %arg3[%add3A_104] : memref<320000xi32, #tpu.memory_space<hbm>> -> memref<80xi32, #tpu.memory_space<hbm>>
    tpu.enqueue_dma source(%dma_start3A_116 : memref<80xi32, #tpu.memory_space<hbm>>) target(%dma_start3A_115 : memref<80xi32, #tpu.memory_space<vmem>>) target_semaphore(%dma_start3A_112 : memref<!tpu.dma_semaphore, #tpu.memory_space<semaphore_mem>>)
    %mul3A_117 = arith.constant 10000 : i32
    %mul3A_118 = arith.muli %arg1, %mul3A_117 : i32
    %add3A_119 = arith.constant 320 : i32
    %add3A_120 = arith.addi %mul3A_118, %add3A_119 : i32
    %dma_start3A_121 = arith.constant 4 : i32
    %dma_start3A_122 = arith.constant 4 : i32
    %dma_start3A_123 = arith.constant 0 : i32
    %dma_start3A_124 = tpu.memref_slice %arg11[%dma_start3A_121, %dma_start3A_123] : memref<6x80xi32, #tpu.memory_space<vmem>> -> memref<1x80xi32, #tpu.memory_space<vmem>>
    %dma_start3A_125 = tpu.memref_squeeze %dma_start3A_124 : memref<1x80xi32, #tpu.memory_space<vmem>> -> memref<80xi32, #tpu.memory_space<vmem>>
    %dma_start3A_126 = tpu.memref_slice %arg3[%add3A_120] : memref<320000xi32, #tpu.memory_space<hbm>> -> memref<80xi32, #tpu.memory_space<hbm>>
    %dma_start3A_127 = tpu.memref_slice %arg16[%dma_start3A_122] : memref<6x!tpu.dma_semaphore, #tpu.memory_space<semaphore_mem>> -> memref<1x!tpu.dma_semaphore, #tpu.memory_space<semaphore_mem>>
    %dma_start3A_128 = tpu.memref_squeeze %dma_start3A_127 : memref<1x!tpu.dma_semaphore, #tpu.memory_space<semaphore_mem>> -> memref<!tpu.dma_semaphore, #tpu.memory_space<semaphore_mem>>
    %dma_start3A_129 = arith.constant 0 : i32
    %dma_start3A_130 = tpu.memref_slice %arg11[%dma_start3A_121, %dma_start3A_129] : memref<6x80xi32, #tpu.memory_space<vmem>> -> memref<1x80xi32, #tpu.memory_space<vmem>>
    %dma_start3A_131 = tpu.memref_squeeze %dma_start3A_130 : memref<1x80xi32, #tpu.memory_space<vmem>> -> memref<80xi32, #tpu.memory_space<vmem>>
    %dma_start3A_132 = tpu.memref_slice %arg3[%add3A_120] : memref<320000xi32, #tpu.memory_space<hbm>> -> memref<80xi32, #tpu.memory_space<hbm>>
    tpu.enqueue_dma source(%dma_start3A_132 : memref<80xi32, #tpu.memory_space<hbm>>) target(%dma_start3A_131 : memref<80xi32, #tpu.memory_space<vmem>>) target_semaphore(%dma_start3A_128 : memref<!tpu.dma_semaphore, #tpu.memory_space<semaphore_mem>>)
    %add3A_133 = arith.constant 160000 : i32
    %add3A_134 = arith.addi %add3A_133, %add3A_120 : i32
    %dma_start3A_135 = arith.constant 4 : i32
    %dma_start3A_136 = arith.constant 4 : i32
    %dma_start3A_137 = arith.constant 0 : i32
    %dma_start3A_138 = tpu.memref_slice %arg12[%dma_start3A_135, %dma_start3A_137] : memref<6x80xi32, #tpu.memory_space<vmem>> -> memref<1x80xi32, #tpu.memory_space<vmem>>
    %dma_start3A_139 = tpu.memref_squeeze %dma_start3A_138 : memref<1x80xi32, #tpu.memory_space<vmem>> -> memref<80xi32, #tpu.memory_space<vmem>>
    %dma_start3A_140 = tpu.memref_slice %arg3[%add3A_134] : memref<320000xi32, #tpu.memory_space<hbm>> -> memref<80xi32, #tpu.memory_space<hbm>>
    %dma_start3A_141 = tpu.memref_slice %arg16[%dma_start3A_136] : memref<6x!tpu.dma_semaphore, #tpu.memory_space<semaphore_mem>> -> memref<1x!tpu.dma_semaphore, #tpu.memory_space<semaphore_mem>>
    %dma_start3A_142 = tpu.memref_squeeze %dma_start3A_141 : memref<1x!tpu.dma_semaphore, #tpu.memory_space<semaphore_mem>> -> memref<!tpu.dma_semaphore, #tpu.memory_space<semaphore_mem>>
    %dma_start3A_143 = arith.constant 0 : i32
    %dma_start3A_144 = tpu.memref_slice %arg12[%dma_start3A_135, %dma_start3A_143] : memref<6x80xi32, #tpu.memory_space<vmem>> -> memref<1x80xi32, #tpu.memory_space<vmem>>
    %dma_start3A_145 = tpu.memref_squeeze %dma_start3A_144 : memref<1x80xi32, #tpu.memory_space<vmem>> -> memref<80xi32, #tpu.memory_space<vmem>>
    %dma_start3A_146 = tpu.memref_slice %arg3[%add3A_134] : memref<320000xi32, #tpu.memory_space<hbm>> -> memref<80xi32, #tpu.memory_space<hbm>>
    tpu.enqueue_dma source(%dma_start3A_146 : memref<80xi32, #tpu.memory_space<hbm>>) target(%dma_start3A_145 : memref<80xi32, #tpu.memory_space<vmem>>) target_semaphore(%dma_start3A_142 : memref<!tpu.dma_semaphore, #tpu.memory_space<semaphore_mem>>)
    %mul3A_147 = arith.constant 10000 : i32
    %mul3A_148 = arith.muli %arg1, %mul3A_147 : i32
    %add3A_149 = arith.constant 400 : i32
    %add3A_150 = arith.addi %mul3A_148, %add3A_149 : i32
    %dma_start3A_151 = arith.constant 5 : i32
    %dma_start3A_152 = arith.constant 5 : i32
    %dma_start3A_153 = arith.constant 0 : i32
    %dma_start3A_154 = tpu.memref_slice %arg11[%dma_start3A_151, %dma_start3A_153] : memref<6x80xi32, #tpu.memory_space<vmem>> -> memref<1x80xi32, #tpu.memory_space<vmem>>
    %dma_start3A_155 = tpu.memref_squeeze %dma_start3A_154 : memref<1x80xi32, #tpu.memory_space<vmem>> -> memref<80xi32, #tpu.memory_space<vmem>>
    %dma_start3A_156 = tpu.memref_slice %arg3[%add3A_150] : memref<320000xi32, #tpu.memory_space<hbm>> -> memref<80xi32, #tpu.memory_space<hbm>>
    %dma_start3A_157 = tpu.memref_slice %arg16[%dma_start3A_152] : memref<6x!tpu.dma_semaphore, #tpu.memory_space<semaphore_mem>> -> memref<1x!tpu.dma_semaphore, #tpu.memory_space<semaphore_mem>>
    %dma_start3A_158 = tpu.memref_squeeze %dma_start3A_157 : memref<1x!tpu.dma_semaphore, #tpu.memory_space<semaphore_mem>> -> memref<!tpu.dma_semaphore, #tpu.memory_space<semaphore_mem>>
    %dma_start3A_159 = arith.constant 0 : i32
    %dma_start3A_160 = tpu.memref_slice %arg11[%dma_start3A_151, %dma_start3A_159] : memref<6x80xi32, #tpu.memory_space<vmem>> -> memref<1x80xi32, #tpu.memory_space<vmem>>
    %dma_start3A_161 = tpu.memref_squeeze %dma_start3A_160 : memref<1x80xi32, #tpu.memory_space<vmem>> -> memref<80xi32, #tpu.memory_space<vmem>>
    %dma_start3A_162 = tpu.memref_slice %arg3[%add3A_150] : memref<320000xi32, #tpu.memory_space<hbm>> -> memref<80xi32, #tpu.memory_space<hbm>>
    tpu.enqueue_dma source(%dma_start3A_162 : memref<80xi32, #tpu.memory_space<hbm>>) target(%dma_start3A_161 : memref<80xi32, #tpu.memory_space<vmem>>) target_semaphore(%dma_start3A_158 : memref<!tpu.dma_semaphore, #tpu.memory_space<semaphore_mem>>)
    %add3A_163 = arith.constant 160000 : i32
    %add3A_164 = arith.addi %add3A_163, %add3A_150 : i32
    %dma_start3A_165 = arith.constant 5 : i32
    %dma_start3A_166 = arith.constant 5 : i32
    %dma_start3A_167 = arith.constant 0 : i32
    %dma_start3A_168 = tpu.memref_slice %arg12[%dma_start3A_165, %dma_start3A_167] : memref<6x80xi32, #tpu.memory_space<vmem>> -> memref<1x80xi32, #tpu.memory_space<vmem>>
    %dma_start3A_169 = tpu.memref_squeeze %dma_start3A_168 : memref<1x80xi32, #tpu.memory_space<vmem>> -> memref<80xi32, #tpu.memory_space<vmem>>
    %dma_start3A_170 = tpu.memref_slice %arg3[%add3A_164] : memref<320000xi32, #tpu.memory_space<hbm>> -> memref<80xi32, #tpu.memory_space<hbm>>
    %dma_start3A_171 = tpu.memref_slice %arg16[%dma_start3A_166] : memref<6x!tpu.dma_semaphore, #tpu.memory_space<semaphore_mem>> -> memref<1x!tpu.dma_semaphore, #tpu.memory_space<semaphore_mem>>
    %dma_start3A_172 = tpu.memref_squeeze %dma_start3A_171 : memref<1x!tpu.dma_semaphore, #tpu.memory_space<semaphore_mem>> -> memref<!tpu.dma_semaphore, #tpu.memory_space<semaphore_mem>>
    %dma_start3A_173 = arith.constant 0 : i32
    %dma_start3A_174 = tpu.memref_slice %arg12[%dma_start3A_165, %dma_start3A_173] : memref<6x80xi32, #tpu.memory_space<vmem>> -> memref<1x80xi32, #tpu.memory_space<vmem>>
    %dma_start3A_175 = tpu.memref_squeeze %dma_start3A_174 : memref<1x80xi32, #tpu.memory_space<vmem>> -> memref<80xi32, #tpu.memory_space<vmem>>
    %dma_start3A_176 = tpu.memref_slice %arg3[%add3A_164] : memref<320000xi32, #tpu.memory_space<hbm>> -> memref<80xi32, #tpu.memory_space<hbm>>
    tpu.enqueue_dma source(%dma_start3A_176 : memref<80xi32, #tpu.memory_space<hbm>>) target(%dma_start3A_175 : memref<80xi32, #tpu.memory_space<vmem>>) target_semaphore(%dma_start3A_172 : memref<!tpu.dma_semaphore, #tpu.memory_space<semaphore_mem>>)
    "tpu.region"() ({
      %run_scoped3A = tpu.sem_alloc : memref<!tpu.dma_semaphore, #tpu.memory_space<semaphore_mem>>
      tpu.enqueue_dma source(%arg6 : memref<80x16xf32, #tpu.memory_space<hbm>>) target(%arg15 : memref<80x16xf32, #tpu.memory_space<vmem>>) target_semaphore(%run_scoped3A : memref<!tpu.dma_semaphore, #tpu.memory_space<semaphore_mem>>)
      tpu.wait_dma2 semaphore(%run_scoped3A : memref<!tpu.dma_semaphore, #tpu.memory_space<semaphore_mem>>) src(%arg6 : memref<80x16xf32, #tpu.memory_space<hbm>>) dst(%arg15 : memref<80x16xf32, #tpu.memory_space<vmem>>)
      tpu.yield
    }) : () -> ()
    %lt3A = arith.constant 16 : i32
    %lt3A_177 = arith.cmpi slt, %arg1, %lt3A : i32
    %convert_element_type3A = arith.extui %lt3A_177 : i1 to i32
    %cond3A = arith.constant 0 : i32
    %cond3A_178 = arith.cmpi ne, %convert_element_type3A, %cond3A : i32
    scf.if %cond3A_178 {
      %mul3A_467 = arith.constant 625 : i32
      %mul3A_468 = arith.muli %arg1, %mul3A_467 : i32
      "tpu.region"() ({
        %run_scoped3A = tpu.sem_alloc : memref<!tpu.dma_semaphore, #tpu.memory_space<semaphore_mem>>
        %dma_start3A_469 = arith.constant 0 : i32
        %dma_start3A_470 = tpu.memref_slice %arg9[%mul3A_468, %dma_start3A_469] : memref<10008x128xf32, #tpu.memory_space<vmem_shared>> -> memref<625x128xf32, #tpu.memory_space<vmem_shared>>
        tpu.enqueue_dma source(%arg4 : memref<625x128xf32, #tpu.memory_space<hbm>>) target(%dma_start3A_470 : memref<625x128xf32, #tpu.memory_space<vmem_shared>>) target_semaphore(%run_scoped3A : memref<!tpu.dma_semaphore, #tpu.memory_space<semaphore_mem>>)
        %dma_wait3A_471 = arith.constant 0 : i32
        %dma_wait3A_472 = tpu.memref_slice %arg9[%mul3A_468, %dma_wait3A_471] : memref<10008x128xf32, #tpu.memory_space<vmem_shared>> -> memref<625x128xf32, #tpu.memory_space<vmem_shared>>
        tpu.wait_dma2 semaphore(%run_scoped3A : memref<!tpu.dma_semaphore, #tpu.memory_space<semaphore_mem>>) src(%arg4 : memref<625x128xf32, #tpu.memory_space<hbm>>) dst(%dma_wait3A_472 : memref<625x128xf32, #tpu.memory_space<vmem_shared>>)
        tpu.yield
      }) : () -> ()
    } else {
    }
    %lt3A_179 = arith.constant 16 : i32
    %lt3A_180 = arith.cmpi slt, %arg1, %lt3A_179 : i32
    %eq3A = arith.constant 0 : i32
    %eq3A_181 = arith.cmpi eq, %arg0, %eq3A : i32
    %and3A = arith.andi %lt3A_180, %eq3A_181 : i1
    %convert_element_type3A_182 = arith.extui %and3A : i1 to i32
    %cond3A_183 = arith.constant 0 : i32
    %cond3A_184 = arith.cmpi ne, %convert_element_type3A_182, %cond3A_183 : i32
    scf.if %cond3A_184 {
      %mul3A_467 = arith.constant 625 : i32
      %mul3A_468 = arith.muli %arg1, %mul3A_467 : i32
      "tpu.region"() ({
        %run_scoped3A = tpu.sem_alloc : memref<!tpu.dma_semaphore, #tpu.memory_space<semaphore_mem>>
        %dma_start3A_469 = arith.constant 0 : i32
        %dma_start3A_470 = tpu.memref_slice %arg10[%mul3A_468, %dma_start3A_469] : memref<10008x16xf32, #tpu.memory_space<vmem_shared>> -> memref<625x16xf32, #tpu.memory_space<vmem_shared>>
        tpu.enqueue_dma source(%arg5 : memref<625x16xf32, #tpu.memory_space<hbm>>) target(%dma_start3A_470 : memref<625x16xf32, #tpu.memory_space<vmem_shared>>) target_semaphore(%run_scoped3A : memref<!tpu.dma_semaphore, #tpu.memory_space<semaphore_mem>>)
        %dma_wait3A_471 = arith.constant 0 : i32
        %dma_wait3A_472 = tpu.memref_slice %arg10[%mul3A_468, %dma_wait3A_471] : memref<10008x16xf32, #tpu.memory_space<vmem_shared>> -> memref<625x16xf32, #tpu.memory_space<vmem_shared>>
        tpu.wait_dma2 semaphore(%run_scoped3A : memref<!tpu.dma_semaphore, #tpu.memory_space<semaphore_mem>>) src(%arg5 : memref<625x16xf32, #tpu.memory_space<hbm>>) dst(%dma_wait3A_472 : memref<625x16xf32, #tpu.memory_space<vmem_shared>>)
        tpu.yield
      }) : () -> ()
    } else {
    }
    %barrier3A = arith.constant 0 : index
    tpu.barrier barrier_id(%barrier3A)
    %dma_wait3A = arith.constant 0 : i32
    %dma_wait3A_185 = arith.constant 0 : i32
    %dma_wait3A_186 = arith.constant 0 : i32
    %dma_wait3A_187 = tpu.memref_slice %arg11[%dma_wait3A, %dma_wait3A_186] : memref<6x80xi32, #tpu.memory_space<vmem>> -> memref<1x80xi32, #tpu.memory_space<vmem>>
    %dma_wait3A_188 = tpu.memref_squeeze %dma_wait3A_187 : memref<1x80xi32, #tpu.memory_space<vmem>> -> memref<80xi32, #tpu.memory_space<vmem>>
    %dma_wait3A_189 = arith.constant 0 : i32
    %dma_wait3A_190 = tpu.memref_slice %arg3[%dma_wait3A_189] : memref<320000xi32, #tpu.memory_space<hbm>> -> memref<80xi32, #tpu.memory_space<hbm>>
    %dma_wait3A_191 = tpu.memref_slice %arg16[%dma_wait3A_185] : memref<6x!tpu.dma_semaphore, #tpu.memory_space<semaphore_mem>> -> memref<1x!tpu.dma_semaphore, #tpu.memory_space<semaphore_mem>>
    %dma_wait3A_192 = tpu.memref_squeeze %dma_wait3A_191 : memref<1x!tpu.dma_semaphore, #tpu.memory_space<semaphore_mem>> -> memref<!tpu.dma_semaphore, #tpu.memory_space<semaphore_mem>>
    %dma_wait3A_193 = arith.constant 0 : i32
    %dma_wait3A_194 = tpu.memref_slice %arg11[%dma_wait3A, %dma_wait3A_193] : memref<6x80xi32, #tpu.memory_space<vmem>> -> memref<1x80xi32, #tpu.memory_space<vmem>>
    %dma_wait3A_195 = tpu.memref_squeeze %dma_wait3A_194 : memref<1x80xi32, #tpu.memory_space<vmem>> -> memref<80xi32, #tpu.memory_space<vmem>>
    %dma_wait3A_196 = arith.constant 0 : i32
    %dma_wait3A_197 = tpu.memref_slice %arg3[%dma_wait3A_196] : memref<320000xi32, #tpu.memory_space<hbm>> -> memref<80xi32, #tpu.memory_space<hbm>>
    tpu.wait_dma2 semaphore(%dma_wait3A_192 : memref<!tpu.dma_semaphore, #tpu.memory_space<semaphore_mem>>) src(%dma_wait3A_197 : memref<80xi32, #tpu.memory_space<hbm>>) dst(%dma_wait3A_195 : memref<80xi32, #tpu.memory_space<vmem>>)
    %dma_wait3A_198 = arith.constant 0 : i32
    %dma_wait3A_199 = arith.constant 0 : i32
    %dma_wait3A_200 = arith.constant 0 : i32
    %dma_wait3A_201 = tpu.memref_slice %arg12[%dma_wait3A_198, %dma_wait3A_200] : memref<6x80xi32, #tpu.memory_space<vmem>> -> memref<1x80xi32, #tpu.memory_space<vmem>>
    %dma_wait3A_202 = tpu.memref_squeeze %dma_wait3A_201 : memref<1x80xi32, #tpu.memory_space<vmem>> -> memref<80xi32, #tpu.memory_space<vmem>>
    %dma_wait3A_203 = arith.constant 0 : i32
    %dma_wait3A_204 = tpu.memref_slice %arg3[%dma_wait3A_203] : memref<320000xi32, #tpu.memory_space<hbm>> -> memref<80xi32, #tpu.memory_space<hbm>>
    %dma_wait3A_205 = tpu.memref_slice %arg16[%dma_wait3A_199] : memref<6x!tpu.dma_semaphore, #tpu.memory_space<semaphore_mem>> -> memref<1x!tpu.dma_semaphore, #tpu.memory_space<semaphore_mem>>
    %dma_wait3A_206 = tpu.memref_squeeze %dma_wait3A_205 : memref<1x!tpu.dma_semaphore, #tpu.memory_space<semaphore_mem>> -> memref<!tpu.dma_semaphore, #tpu.memory_space<semaphore_mem>>
    %dma_wait3A_207 = arith.constant 0 : i32
    %dma_wait3A_208 = tpu.memref_slice %arg12[%dma_wait3A_198, %dma_wait3A_207] : memref<6x80xi32, #tpu.memory_space<vmem>> -> memref<1x80xi32, #tpu.memory_space<vmem>>
    %dma_wait3A_209 = tpu.memref_squeeze %dma_wait3A_208 : memref<1x80xi32, #tpu.memory_space<vmem>> -> memref<80xi32, #tpu.memory_space<vmem>>
    %dma_wait3A_210 = arith.constant 0 : i32
    %dma_wait3A_211 = tpu.memref_slice %arg3[%dma_wait3A_210] : memref<320000xi32, #tpu.memory_space<hbm>> -> memref<80xi32, #tpu.memory_space<hbm>>
    tpu.wait_dma2 semaphore(%dma_wait3A_206 : memref<!tpu.dma_semaphore, #tpu.memory_space<semaphore_mem>>) src(%dma_wait3A_211 : memref<80xi32, #tpu.memory_space<hbm>>) dst(%dma_wait3A_209 : memref<80xi32, #tpu.memory_space<vmem>>)
    %get3A = arith.constant 0 : i32
    %get3A_212 = arith.index_cast %get3A : i32 to index
    %get3A_213 = arith.constant 0 : index
    %get3A_214 = tpu.vector_load %arg12[%get3A_212, %get3A_213] {strides = array<i32>} : memref<6x80xi32, #tpu.memory_space<vmem>>, vector<1x16xi32>,
    %get3A_215 = vector.shape_cast %get3A_214 : vector<1x16xi32> to vector<16xi32>
    %mul3A_216 = arith.constant 2 : i32
    %mul3A_217 = vector.broadcast %mul3A_216 : i32 to vector<16xi32>
    %mul3A_218 = arith.muli %get3A_215, %mul3A_217 : vector<16xi32>
    %add3A_219 = vector.broadcast %arg0 : i32 to vector<16xi32>
    %add3A_220 = arith.addi %mul3A_218, %add3A_219 : vector<16xi32>
    %swap3A = arith.constant 0 : i32
    %swap3A_221 = arith.index_cast %swap3A : i32 to index
    %swap3A_222 = arith.constant 0 : index
    %swap3A_223 = tpu.vector_load %arg13[%swap3A_221, %swap3A_222] {strides = array<i32>} : memref<3x80xi32, #tpu.memory_space<vmem>>, vector<1x16xi32>,
    %swap3A_224 = vector.shape_cast %swap3A_223 : vector<1x16xi32> to vector<16xi32>
    %swap3A_225 = vector.shape_cast %add3A_220 : vector<16xi32> to vector<1x16xi32>
    tpu.vector_store %arg13[%swap3A_221, %swap3A_222], %swap3A_225 {strides = array<i32>} : memref<3x80xi32, #tpu.memory_space<vmem>>, vector<1x16xi32>,
    %get3A_226 = arith.constant 0 : i32
    %get3A_227 = arith.index_cast %get3A_226 : i32 to index
    %get3A_228 = arith.constant 16 : index
    %get3A_229 = tpu.vector_load %arg12[%get3A_227, %get3A_228] {strides = array<i32>} : memref<6x80xi32, #tpu.memory_space<vmem>>, vector<1x16xi32>,
    %get3A_230 = vector.shape_cast %get3A_229 : vector<1x16xi32> to vector<16xi32>
    %mul3A_231 = arith.constant 2 : i32
    %mul3A_232 = vector.broadcast %mul3A_231 : i32 to vector<16xi32>
    %mul3A_233 = arith.muli %get3A_230, %mul3A_232 : vector<16xi32>
    %add3A_234 = vector.broadcast %arg0 : i32 to vector<16xi32>
    %add3A_235 = arith.addi %mul3A_233, %add3A_234 : vector<16xi32>
    %swap3A_236 = arith.constant 0 : i32
    %swap3A_237 = arith.index_cast %swap3A_236 : i32 to index
    %swap3A_238 = arith.constant 16 : index
    %swap3A_239 = tpu.vector_load %arg13[%swap3A_237, %swap3A_238] {strides = array<i32>} : memref<3x80xi32, #tpu.memory_space<vmem>>, vector<1x16xi32>,
    %swap3A_240 = vector.shape_cast %swap3A_239 : vector<1x16xi32> to vector<16xi32>
    %swap3A_241 = vector.shape_cast %add3A_235 : vector<16xi32> to vector<1x16xi32>
    tpu.vector_store %arg13[%swap3A_237, %swap3A_238], %swap3A_241 {strides = array<i32>} : memref<3x80xi32, #tpu.memory_space<vmem>>, vector<1x16xi32>,
    %get3A_242 = arith.constant 0 : i32
    %get3A_243 = arith.index_cast %get3A_242 : i32 to index
    %get3A_244 = arith.constant 32 : index
    %get3A_245 = tpu.vector_load %arg12[%get3A_243, %get3A_244] {strides = array<i32>} : memref<6x80xi32, #tpu.memory_space<vmem>>, vector<1x16xi32>,
    %get3A_246 = vector.shape_cast %get3A_245 : vector<1x16xi32> to vector<16xi32>
    %mul3A_247 = arith.constant 2 : i32
    %mul3A_248 = vector.broadcast %mul3A_247 : i32 to vector<16xi32>
    %mul3A_249 = arith.muli %get3A_246, %mul3A_248 : vector<16xi32>
    %add3A_250 = vector.broadcast %arg0 : i32 to vector<16xi32>
    %add3A_251 = arith.addi %mul3A_249, %add3A_250 : vector<16xi32>
    %swap3A_252 = arith.constant 0 : i32
    %swap3A_253 = arith.index_cast %swap3A_252 : i32 to index
    %swap3A_254 = arith.constant 32 : index
    %swap3A_255 = tpu.vector_load %arg13[%swap3A_253, %swap3A_254] {strides = array<i32>} : memref<3x80xi32, #tpu.memory_space<vmem>>, vector<1x16xi32>,
    %swap3A_256 = vector.shape_cast %swap3A_255 : vector<1x16xi32> to vector<16xi32>
    %swap3A_257 = vector.shape_cast %add3A_251 : vector<16xi32> to vector<1x16xi32>
    tpu.vector_store %arg13[%swap3A_253, %swap3A_254], %swap3A_257 {strides = array<i32>} : memref<3x80xi32, #tpu.memory_space<vmem>>, vector<1x16xi32>,
    %get3A_258 = arith.constant 0 : i32
    %get3A_259 = arith.index_cast %get3A_258 : i32 to index
    %get3A_260 = arith.constant 48 : index
    %get3A_261 = tpu.vector_load %arg12[%get3A_259, %get3A_260] {strides = array<i32>} : memref<6x80xi32, #tpu.memory_space<vmem>>, vector<1x16xi32>,
    %get3A_262 = vector.shape_cast %get3A_261 : vector<1x16xi32> to vector<16xi32>
    %mul3A_263 = arith.constant 2 : i32
    %mul3A_264 = vector.broadcast %mul3A_263 : i32 to vector<16xi32>
    %mul3A_265 = arith.muli %get3A_262, %mul3A_264 : vector<16xi32>
    %add3A_266 = vector.broadcast %arg0 : i32 to vector<16xi32>
    %add3A_267 = arith.addi %mul3A_265, %add3A_266 : vector<16xi32>
    %swap3A_268 = arith.constant 0 : i32
    %swap3A_269 = arith.index_cast %swap3A_268 : i32 to index
    %swap3A_270 = arith.constant 48 : index
    %swap3A_271 = tpu.vector_load %arg13[%swap3A_269, %swap3A_270] {strides = array<i32>} : memref<3x80xi32, #tpu.memory_space<vmem>>, vector<1x16xi32>,
    %swap3A_272 = vector.shape_cast %swap3A_271 : vector<1x16xi32> to vector<16xi32>
    %swap3A_273 = vector.shape_cast %add3A_267 : vector<16xi32> to vector<1x16xi32>
    tpu.vector_store %arg13[%swap3A_269, %swap3A_270], %swap3A_273 {strides = array<i32>} : memref<3x80xi32, #tpu.memory_space<vmem>>, vector<1x16xi32>,
    %get3A_274 = arith.constant 0 : i32
    %get3A_275 = arith.index_cast %get3A_274 : i32 to index
    %get3A_276 = arith.constant 64 : index
    %get3A_277 = tpu.vector_load %arg12[%get3A_275, %get3A_276] {strides = array<i32>} : memref<6x80xi32, #tpu.memory_space<vmem>>, vector<1x16xi32>,
    %get3A_278 = vector.shape_cast %get3A_277 : vector<1x16xi32> to vector<16xi32>
    %mul3A_279 = arith.constant 2 : i32
    %mul3A_280 = vector.broadcast %mul3A_279 : i32 to vector<16xi32>
    %mul3A_281 = arith.muli %get3A_278, %mul3A_280 : vector<16xi32>
    %add3A_282 = vector.broadcast %arg0 : i32 to vector<16xi32>
    %add3A_283 = arith.addi %mul3A_281, %add3A_282 : vector<16xi32>
    %swap3A_284 = arith.constant 0 : i32
    %swap3A_285 = arith.index_cast %swap3A_284 : i32 to index
    %swap3A_286 = arith.constant 64 : index
    %swap3A_287 = tpu.vector_load %arg13[%swap3A_285, %swap3A_286] {strides = array<i32>} : memref<3x80xi32, #tpu.memory_space<vmem>>, vector<1x16xi32>,
    %swap3A_288 = vector.shape_cast %swap3A_287 : vector<1x16xi32> to vector<16xi32>
    %swap3A_289 = vector.shape_cast %add3A_283 : vector<16xi32> to vector<1x16xi32>
    tpu.vector_store %arg13[%swap3A_285, %swap3A_286], %swap3A_289 {strides = array<i32>} : memref<3x80xi32, #tpu.memory_space<vmem>>, vector<1x16xi32>,
    %dma_start3A_290 = arith.constant 0 : i32
    %dma_start3A_291 = arith.constant 0 : i32
    %dma_start3A_292 = arith.constant 0 : i32
    %dma_start3A_293 = arith.constant 0 : i32
    %dma_start3A_294 = arith.constant 0 : i32
    %dma_start3A_295 = tpu.memref_slice %arg14[%dma_start3A_291, %dma_start3A_293, %dma_start3A_294] : memref<3x80x128xf32, #tpu.memory_space<vmem>> -> memref<1x80x128xf32, #tpu.memory_space<vmem>>
    %dma_start3A_296 = tpu.memref_squeeze %dma_start3A_295 : memref<1x80x128xf32, #tpu.memory_space<vmem>> -> memref<80x128xf32, #tpu.memory_space<vmem>>
    %dma_start3A_297 = arith.constant 0 : i32
    %dma_start3A_298 = tpu.memref_slice %arg13[%dma_start3A_290, %dma_start3A_297] : memref<3x80xi32, #tpu.memory_space<vmem>> -> memref<1x80xi32, #tpu.memory_space<vmem>>
    %dma_start3A_299 = tpu.memref_squeeze %dma_start3A_298 : memref<1x80xi32, #tpu.memory_space<vmem>> -> memref<80xi32, #tpu.memory_space<vmem>>
    %dma_start3A_300 = arith.constant 0 : i32
    %dma_start3A_301 = arith.constant 0 : i32
    %dma_start3A_302 = tpu.memref_slice %arg2[%dma_start3A_300, %dma_start3A_301] : memref<20000x128xf32, #tpu.memory_space<hbm>> -> memref<20000x128xf32, #tpu.memory_space<hbm>>
    %dma_start3A_303 = tpu.memref_slice %arg17[%dma_start3A_292] : memref<3x!tpu.dma_semaphore, #tpu.memory_space<semaphore_mem>> -> memref<1x!tpu.dma_semaphore, #tpu.memory_space<semaphore_mem>>
    %dma_start3A_304 = tpu.memref_squeeze %dma_start3A_303 : memref<1x!tpu.dma_semaphore, #tpu.memory_space<semaphore_mem>> -> memref<!tpu.dma_semaphore, #tpu.memory_space<semaphore_mem>>
    tpu.enqueue_indirect_dma source(%dma_start3A_302 : memref<20000x128xf32, #tpu.memory_space<hbm>>) target(%dma_start3A_296 : memref<80x128xf32, #tpu.memory_space<vmem>>) offsets(%dma_start3A_299 : memref<80xi32, #tpu.memory_space<vmem>>) semaphore(%dma_start3A_304 : memref<!tpu.dma_semaphore, #tpu.memory_space<semaphore_mem>>)
    %dma_wait3A_305 = arith.constant 1 : i32
    %dma_wait3A_306 = arith.constant 1 : i32
    %dma_wait3A_307 = arith.constant 0 : i32
    %dma_wait3A_308 = tpu.memref_slice %arg11[%dma_wait3A_305, %dma_wait3A_307] : memref<6x80xi32, #tpu.memory_space<vmem>> -> memref<1x80xi32, #tpu.memory_space<vmem>>
    %dma_wait3A_309 = tpu.memref_squeeze %dma_wait3A_308 : memref<1x80xi32, #tpu.memory_space<vmem>> -> memref<80xi32, #tpu.memory_space<vmem>>
    %dma_wait3A_310 = arith.constant 0 : i32
    %dma_wait3A_311 = tpu.memref_slice %arg3[%dma_wait3A_310] : memref<320000xi32, #tpu.memory_space<hbm>> -> memref<80xi32, #tpu.memory_space<hbm>>
    %dma_wait3A_312 = tpu.memref_slice %arg16[%dma_wait3A_306] : memref<6x!tpu.dma_semaphore, #tpu.memory_space<semaphore_mem>> -> memref<1x!tpu.dma_semaphore, #tpu.memory_space<semaphore_mem>>
    %dma_wait3A_313 = tpu.memref_squeeze %dma_wait3A_312 : memref<1x!tpu.dma_semaphore, #tpu.memory_space<semaphore_mem>> -> memref<!tpu.dma_semaphore, #tpu.memory_space<semaphore_mem>>
    %dma_wait3A_314 = arith.constant 0 : i32
    %dma_wait3A_315 = tpu.memref_slice %arg11[%dma_wait3A_305, %dma_wait3A_314] : memref<6x80xi32, #tpu.memory_space<vmem>> -> memref<1x80xi32, #tpu.memory_space<vmem>>
    %dma_wait3A_316 = tpu.memref_squeeze %dma_wait3A_315 : memref<1x80xi32, #tpu.memory_space<vmem>> -> memref<80xi32, #tpu.memory_space<vmem>>
    %dma_wait3A_317 = arith.constant 0 : i32
    %dma_wait3A_318 = tpu.memref_slice %arg3[%dma_wait3A_317] : memref<320000xi32, #tpu.memory_space<hbm>> -> memref<80xi32, #tpu.memory_space<hbm>>
    tpu.wait_dma2 semaphore(%dma_wait3A_313 : memref<!tpu.dma_semaphore, #tpu.memory_space<semaphore_mem>>) src(%dma_wait3A_318 : memref<80xi32, #tpu.memory_space<hbm>>) dst(%dma_wait3A_316 : memref<80xi32, #tpu.memory_space<vmem>>)
    %dma_wait3A_319 = arith.constant 1 : i32
    %dma_wait3A_320 = arith.constant 1 : i32
    %dma_wait3A_321 = arith.constant 0 : i32
    %dma_wait3A_322 = tpu.memref_slice %arg12[%dma_wait3A_319, %dma_wait3A_321] : memref<6x80xi32, #tpu.memory_space<vmem>> -> memref<1x80xi32, #tpu.memory_space<vmem>>
    %dma_wait3A_323 = tpu.memref_squeeze %dma_wait3A_322 : memref<1x80xi32, #tpu.memory_space<vmem>> -> memref<80xi32, #tpu.memory_space<vmem>>
    %dma_wait3A_324 = arith.constant 0 : i32
    %dma_wait3A_325 = tpu.memref_slice %arg3[%dma_wait3A_324] : memref<320000xi32, #tpu.memory_space<hbm>> -> memref<80xi32, #tpu.memory_space<hbm>>
    %dma_wait3A_326 = tpu.memref_slice %arg16[%dma_wait3A_320] : memref<6x!tpu.dma_semaphore, #tpu.memory_space<semaphore_mem>> -> memref<1x!tpu.dma_semaphore, #tpu.memory_space<semaphore_mem>>
    %dma_wait3A_327 = tpu.memref_squeeze %dma_wait3A_326 : memref<1x!tpu.dma_semaphore, #tpu.memory_space<semaphore_mem>> -> memref<!tpu.dma_semaphore, #tpu.memory_space<semaphore_mem>>
    %dma_wait3A_328 = arith.constant 0 : i32
    %dma_wait3A_329 = tpu.memref_slice %arg12[%dma_wait3A_319, %dma_wait3A_328] : memref<6x80xi32, #tpu.memory_space<vmem>> -> memref<1x80xi32, #tpu.memory_space<vmem>>
    %dma_wait3A_330 = tpu.memref_squeeze %dma_wait3A_329 : memref<1x80xi32, #tpu.memory_space<vmem>> -> memref<80xi32, #tpu.memory_space<vmem>>
    %dma_wait3A_331 = arith.constant 0 : i32
    %dma_wait3A_332 = tpu.memref_slice %arg3[%dma_wait3A_331] : memref<320000xi32, #tpu.memory_space<hbm>> -> memref<80xi32, #tpu.memory_space<hbm>>
    tpu.wait_dma2 semaphore(%dma_wait3A_327 : memref<!tpu.dma_semaphore, #tpu.memory_space<semaphore_mem>>) src(%dma_wait3A_332 : memref<80xi32, #tpu.memory_space<hbm>>) dst(%dma_wait3A_330 : memref<80xi32, #tpu.memory_space<vmem>>)
    %get3A_333 = arith.constant 1 : i32
    %get3A_334 = arith.index_cast %get3A_333 : i32 to index
    %get3A_335 = arith.constant 0 : index
    %get3A_336 = tpu.vector_load %arg12[%get3A_334, %get3A_335] {strides = array<i32>} : memref<6x80xi32, #tpu.memory_space<vmem>>, vector<1x16xi32>,
    %get3A_337 = vector.shape_cast %get3A_336 : vector<1x16xi32> to vector<16xi32>
    %mul3A_338 = arith.constant 2 : i32
    %mul3A_339 = vector.broadcast %mul3A_338 : i32 to vector<16xi32>
    %mul3A_340 = arith.muli %get3A_337, %mul3A_339 : vector<16xi32>
    %add3A_341 = vector.broadcast %arg0 : i32 to vector<16xi32>
    %add3A_342 = arith.addi %mul3A_340, %add3A_341 : vector<16xi32>
    %swap3A_343 = arith.constant 1 : i32
    %swap3A_344 = arith.index_cast %swap3A_343 : i32 to index
    %swap3A_345 = arith.constant 0 : index
    %swap3A_346 = tpu.vector_load %arg13[%swap3A_344, %swap3A_345] {strides = array<i32>} : memref<3x80xi32, #tpu.memory_space<vmem>>, vector<1x16xi32>,
    %swap3A_347 = vector.shape_cast %swap3A_346 : vector<1x16xi32> to vector<16xi32>
    %swap3A_348 = vector.shape_cast %add3A_342 : vector<16xi32> to vector<1x16xi32>
    tpu.vector_store %arg13[%swap3A_344, %swap3A_345], %swap3A_348 {strides = array<i32>} : memref<3x80xi32, #tpu.memory_space<vmem>>, vector<1x16xi32>,
    %get3A_349 = arith.constant 1 : i32
    %get3A_350 = arith.index_cast %get3A_349 : i32 to index
    %get3A_351 = arith.constant 16 : index
    %get3A_352 = tpu.vector_load %arg12[%get3A_350, %get3A_351] {strides = array<i32>} : memref<6x80xi32, #tpu.memory_space<vmem>>, vector<1x16xi32>,
    %get3A_353 = vector.shape_cast %get3A_352 : vector<1x16xi32> to vector<16xi32>
    %mul3A_354 = arith.constant 2 : i32
    %mul3A_355 = vector.broadcast %mul3A_354 : i32 to vector<16xi32>
    %mul3A_356 = arith.muli %get3A_353, %mul3A_355 : vector<16xi32>
    %add3A_357 = vector.broadcast %arg0 : i32 to vector<16xi32>
    %add3A_358 = arith.addi %mul3A_356, %add3A_357 : vector<16xi32>
    %swap3A_359 = arith.constant 1 : i32
    %swap3A_360 = arith.index_cast %swap3A_359 : i32 to index
    %swap3A_361 = arith.constant 16 : index
    %swap3A_362 = tpu.vector_load %arg13[%swap3A_360, %swap3A_361] {strides = array<i32>} : memref<3x80xi32, #tpu.memory_space<vmem>>, vector<1x16xi32>,
    %swap3A_363 = vector.shape_cast %swap3A_362 : vector<1x16xi32> to vector<16xi32>
    %swap3A_364 = vector.shape_cast %add3A_358 : vector<16xi32> to vector<1x16xi32>
    tpu.vector_store %arg13[%swap3A_360, %swap3A_361], %swap3A_364 {strides = array<i32>} : memref<3x80xi32, #tpu.memory_space<vmem>>, vector<1x16xi32>,
    %get3A_365 = arith.constant 1 : i32
    %get3A_366 = arith.index_cast %get3A_365 : i32 to index
    %get3A_367 = arith.constant 32 : index
    %get3A_368 = tpu.vector_load %arg12[%get3A_366, %get3A_367] {strides = array<i32>} : memref<6x80xi32, #tpu.memory_space<vmem>>, vector<1x16xi32>,
    %get3A_369 = vector.shape_cast %get3A_368 : vector<1x16xi32> to vector<16xi32>
    %mul3A_370 = arith.constant 2 : i32
    %mul3A_371 = vector.broadcast %mul3A_370 : i32 to vector<16xi32>
    %mul3A_372 = arith.muli %get3A_369, %mul3A_371 : vector<16xi32>
    %add3A_373 = vector.broadcast %arg0 : i32 to vector<16xi32>
    %add3A_374 = arith.addi %mul3A_372, %add3A_373 : vector<16xi32>
    %swap3A_375 = arith.constant 1 : i32
    %swap3A_376 = arith.index_cast %swap3A_375 : i32 to index
    %swap3A_377 = arith.constant 32 : index
    %swap3A_378 = tpu.vector_load %arg13[%swap3A_376, %swap3A_377] {strides = array<i32>} : memref<3x80xi32, #tpu.memory_space<vmem>>, vector<1x16xi32>,
    %swap3A_379 = vector.shape_cast %swap3A_378 : vector<1x16xi32> to vector<16xi32>
    %swap3A_380 = vector.shape_cast %add3A_374 : vector<16xi32> to vector<1x16xi32>
    tpu.vector_store %arg13[%swap3A_376, %swap3A_377], %swap3A_380 {strides = array<i32>} : memref<3x80xi32, #tpu.memory_space<vmem>>, vector<1x16xi32>,
    %get3A_381 = arith.constant 1 : i32
    %get3A_382 = arith.index_cast %get3A_381 : i32 to index
    %get3A_383 = arith.constant 48 : index
    %get3A_384 = tpu.vector_load %arg12[%get3A_382, %get3A_383] {strides = array<i32>} : memref<6x80xi32, #tpu.memory_space<vmem>>, vector<1x16xi32>,
    %get3A_385 = vector.shape_cast %get3A_384 : vector<1x16xi32> to vector<16xi32>
    %mul3A_386 = arith.constant 2 : i32
    %mul3A_387 = vector.broadcast %mul3A_386 : i32 to vector<16xi32>
    %mul3A_388 = arith.muli %get3A_385, %mul3A_387 : vector<16xi32>
    %add3A_389 = vector.broadcast %arg0 : i32 to vector<16xi32>
    %add3A_390 = arith.addi %mul3A_388, %add3A_389 : vector<16xi32>
    %swap3A_391 = arith.constant 1 : i32
    %swap3A_392 = arith.index_cast %swap3A_391 : i32 to index
    %swap3A_393 = arith.constant 48 : index
    %swap3A_394 = tpu.vector_load %arg13[%swap3A_392, %swap3A_393] {strides = array<i32>} : memref<3x80xi32, #tpu.memory_space<vmem>>, vector<1x16xi32>,
    %swap3A_395 = vector.shape_cast %swap3A_394 : vector<1x16xi32> to vector<16xi32>
    %swap3A_396 = vector.shape_cast %add3A_390 : vector<16xi32> to vector<1x16xi32>
    tpu.vector_store %arg13[%swap3A_392, %swap3A_393], %swap3A_396 {strides = array<i32>} : memref<3x80xi32, #tpu.memory_space<vmem>>, vector<1x16xi32>,
    %get3A_397 = arith.constant 1 : i32
    %get3A_398 = arith.index_cast %get3A_397 : i32 to index
    %get3A_399 = arith.constant 64 : index
    %get3A_400 = tpu.vector_load %arg12[%get3A_398, %get3A_399] {strides = array<i32>} : memref<6x80xi32, #tpu.memory_space<vmem>>, vector<1x16xi32>,
    %get3A_401 = vector.shape_cast %get3A_400 : vector<1x16xi32> to vector<16xi32>
    %mul3A_402 = arith.constant 2 : i32
    %mul3A_403 = vector.broadcast %mul3A_402 : i32 to vector<16xi32>
    %mul3A_404 = arith.muli %get3A_401, %mul3A_403 : vector<16xi32>
    %add3A_405 = vector.broadcast %arg0 : i32 to vector<16xi32>
    %add3A_406 = arith.addi %mul3A_404, %add3A_405 : vector<16xi32>
    %swap3A_407 = arith.constant 1 : i32
    %swap3A_408 = arith.index_cast %swap3A_407 : i32 to index
    %swap3A_409 = arith.constant 64 : index
    %swap3A_410 = tpu.vector_load %arg13[%swap3A_408, %swap3A_409] {strides = array<i32>} : memref<3x80xi32, #tpu.memory_space<vmem>>, vector<1x16xi32>,
    %swap3A_411 = vector.shape_cast %swap3A_410 : vector<1x16xi32> to vector<16xi32>
    %swap3A_412 = vector.shape_cast %add3A_406 : vector<16xi32> to vector<1x16xi32>
    tpu.vector_store %arg13[%swap3A_408, %swap3A_409], %swap3A_412 {strides = array<i32>} : memref<3x80xi32, #tpu.memory_space<vmem>>, vector<1x16xi32>,
    %dma_start3A_413 = arith.constant 1 : i32
    %dma_start3A_414 = arith.constant 1 : i32
    %dma_start3A_415 = arith.constant 1 : i32
    %dma_start3A_416 = arith.constant 0 : i32
    %dma_start3A_417 = arith.constant 0 : i32
    %dma_start3A_418 = tpu.memref_slice %arg14[%dma_start3A_414, %dma_start3A_416, %dma_start3A_417] : memref<3x80x128xf32, #tpu.memory_space<vmem>> -> memref<1x80x128xf32, #tpu.memory_space<vmem>>
    %dma_start3A_419 = tpu.memref_squeeze %dma_start3A_418 : memref<1x80x128xf32, #tpu.memory_space<vmem>> -> memref<80x128xf32, #tpu.memory_space<vmem>>
    %dma_start3A_420 = arith.constant 0 : i32
    %dma_start3A_421 = tpu.memref_slice %arg13[%dma_start3A_413, %dma_start3A_420] : memref<3x80xi32, #tpu.memory_space<vmem>> -> memref<1x80xi32, #tpu.memory_space<vmem>>
    %dma_start3A_422 = tpu.memref_squeeze %dma_start3A_421 : memref<1x80xi32, #tpu.memory_space<vmem>> -> memref<80xi32, #tpu.memory_space<vmem>>
    %dma_start3A_423 = arith.constant 0 : i32
    %dma_start3A_424 = arith.constant 0 : i32
    %dma_start3A_425 = tpu.memref_slice %arg2[%dma_start3A_423, %dma_start3A_424] : memref<20000x128xf32, #tpu.memory_space<hbm>> -> memref<20000x128xf32, #tpu.memory_space<hbm>>
    %dma_start3A_426 = tpu.memref_slice %arg17[%dma_start3A_415] : memref<3x!tpu.dma_semaphore, #tpu.memory_space<semaphore_mem>> -> memref<1x!tpu.dma_semaphore, #tpu.memory_space<semaphore_mem>>
    %dma_start3A_427 = tpu.memref_squeeze %dma_start3A_426 : memref<1x!tpu.dma_semaphore, #tpu.memory_space<semaphore_mem>> -> memref<!tpu.dma_semaphore, #tpu.memory_space<semaphore_mem>>
    tpu.enqueue_indirect_dma source(%dma_start3A_425 : memref<20000x128xf32, #tpu.memory_space<hbm>>) target(%dma_start3A_419 : memref<80x128xf32, #tpu.memory_space<vmem>>) offsets(%dma_start3A_422 : memref<80xi32, #tpu.memory_space<vmem>>) semaphore(%dma_start3A_427 : memref<!tpu.dma_semaphore, #tpu.memory_space<semaphore_mem>>)
    %scan3A = arith.constant 0 : i32
    %scan3A_428 = arith.constant 0 : i32
    %scan3A_429 = arith.constant 125 : i32
    %scan3A_430 = arith.addi %scan3A_428, %scan3A_429 : i32
    %scan3A_431 = arith.constant 1 : i32
    scf.for %scan3A_467 = %scan3A_428 to %scan3A_430 step %scan3A_431  : i32 {
      %rem3A_468 = arith.constant 3 : i32
      %rem3A_469 = arith.remsi %scan3A_467, %rem3A_468 : i32
      %rem3A_470 = arith.constant 6 : i32
      %rem3A_471 = arith.remsi %scan3A_467, %rem3A_470 : i32
      %ge3A = arith.constant 1 : i32
      %ge3A_472 = arith.cmpi sge, %scan3A_467, %ge3A : i32
      %convert_element_type3A_473 = arith.extui %ge3A_472 : i1 to i32
      %cond3A_474 = arith.constant 0 : i32
      %cond3A_475 = arith.cmpi ne, %convert_element_type3A_473, %cond3A_474 : i32
      scf.if %cond3A_475 {
        %sub3A = arith.constant 1 : i32
        %sub3A_512 = arith.subi %scan3A_467, %sub3A : i32
        %rem3A_513 = arith.constant 3 : i32
        %rem3A_514 = arith.remsi %sub3A_512, %rem3A_513 : i32
        %dma_wait3A_515 = arith.constant 0 : i32
        %dma_wait3A_516 = arith.constant 0 : i32
        %dma_wait3A_517 = arith.constant 0 : i32
        %dma_wait3A_518 = tpu.memref_slice %arg14[%rem3A_514, %dma_wait3A_516, %dma_wait3A_517] : memref<3x80x128xf32, #tpu.memory_space<vmem>> -> memref<1x80x128xf32, #tpu.memory_space<vmem>>
        %dma_wait3A_519 = tpu.memref_squeeze %dma_wait3A_518 : memref<1x80x128xf32, #tpu.memory_space<vmem>> -> memref<80x128xf32, #tpu.memory_space<vmem>>
        %dma_wait3A_520 = arith.constant 0 : i32
        %dma_wait3A_521 = tpu.memref_slice %arg11[%dma_wait3A_515, %dma_wait3A_520] : memref<6x80xi32, #tpu.memory_space<vmem>> -> memref<1x80xi32, #tpu.memory_space<vmem>>
        %dma_wait3A_522 = tpu.memref_squeeze %dma_wait3A_521 : memref<1x80xi32, #tpu.memory_space<vmem>> -> memref<80xi32, #tpu.memory_space<vmem>>
        %dma_wait3A_523 = arith.constant 0 : i32
        %dma_wait3A_524 = arith.constant 0 : i32
        %dma_wait3A_525 = tpu.memref_slice %arg9[%dma_wait3A_523, %dma_wait3A_524] : memref<10008x128xf32, #tpu.memory_space<vmem_shared>> -> memref<10008x128xf32, #tpu.memory_space<vmem_shared>>
        %dma_wait3A_526 = tpu.memref_slice %arg18[%rem3A_514] : memref<3x!tpu.dma_semaphore, #tpu.memory_space<semaphore_mem>> -> memref<1x!tpu.dma_semaphore, #tpu.memory_space<semaphore_mem>>
        %dma_wait3A_527 = tpu.memref_squeeze %dma_wait3A_526 : memref<1x!tpu.dma_semaphore, #tpu.memory_space<semaphore_mem>> -> memref<!tpu.dma_semaphore, #tpu.memory_space<semaphore_mem>>
        tpu.wait_indirect_dma semaphore(%dma_wait3A_527 : memref<!tpu.dma_semaphore, #tpu.memory_space<semaphore_mem>>) src(%dma_wait3A_519 : memref<80x128xf32, #tpu.memory_space<vmem>>) dst(%dma_wait3A_525 : memref<10008x128xf32, #tpu.memory_space<vmem_shared>>)
        %sub3A_528 = arith.constant 1 : i32
        %sub3A_529 = arith.subi %scan3A_467, %sub3A_528 : i32
        %add3A_530 = arith.constant 6 : i32
        %add3A_531 = arith.addi %sub3A_529, %add3A_530 : i32
        %lt3A_532 = arith.constant 125 : i32
        %lt3A_533 = arith.cmpi slt, %add3A_531, %lt3A_532 : i32
        %convert_element_type3A_534 = arith.extui %lt3A_533 : i1 to i32
        %cond3A_535 = arith.constant 0 : i32
        %cond3A_536 = arith.cmpi ne, %convert_element_type3A_534, %cond3A_535 : i32
        scf.if %cond3A_536 {
          %sub3A_537 = arith.constant 1 : i32
          %sub3A_538 = arith.subi %scan3A_467, %sub3A_537 : i32
          %add3A_539 = arith.constant 6 : i32
          %add3A_540 = arith.addi %sub3A_538, %add3A_539 : i32
          %sub3A_541 = arith.constant 1 : i32
          %sub3A_542 = arith.subi %scan3A_467, %sub3A_541 : i32
          %rem3A_543 = arith.constant 6 : i32
          %rem3A_544 = arith.remsi %sub3A_542, %rem3A_543 : i32
          %mul3A_545 = arith.constant 10000 : i32
          %mul3A_546 = arith.muli %arg1, %mul3A_545 : i32
          %mul3A_547 = arith.constant 80 : i32
          %mul3A_548 = arith.muli %add3A_540, %mul3A_547 : i32
          %add3A_549 = arith.addi %mul3A_546, %mul3A_548 : i32
          %dma_start3A_550 = arith.constant 0 : i32
          %dma_start3A_551 = tpu.memref_slice %arg11[%rem3A_544, %dma_start3A_550] : memref<6x80xi32, #tpu.memory_space<vmem>> -> memref<1x80xi32, #tpu.memory_space<vmem>>
          %dma_start3A_552 = tpu.memref_squeeze %dma_start3A_551 : memref<1x80xi32, #tpu.memory_space<vmem>> -> memref<80xi32, #tpu.memory_space<vmem>>
          %dma_start3A_553 = tpu.memref_slice %arg3[%add3A_549] : memref<320000xi32, #tpu.memory_space<hbm>> -> memref<80xi32, #tpu.memory_space<hbm>>
          %dma_start3A_554 = tpu.memref_slice %arg16[%rem3A_544] : memref<6x!tpu.dma_semaphore, #tpu.memory_space<semaphore_mem>> -> memref<1x!tpu.dma_semaphore, #tpu.memory_space<semaphore_mem>>
          %dma_start3A_555 = tpu.memref_squeeze %dma_start3A_554 : memref<1x!tpu.dma_semaphore, #tpu.memory_space<semaphore_mem>> -> memref<!tpu.dma_semaphore, #tpu.memory_space<semaphore_mem>>
          %dma_start3A_556 = arith.constant 0 : i32
          %dma_start3A_557 = tpu.memref_slice %arg11[%rem3A_544, %dma_start3A_556] : memref<6x80xi32, #tpu.memory_space<vmem>> -> memref<1x80xi32, #tpu.memory_space<vmem>>
          %dma_start3A_558 = tpu.memref_squeeze %dma_start3A_557 : memref<1x80xi32, #tpu.memory_space<vmem>> -> memref<80xi32, #tpu.memory_space<vmem>>
          %dma_start3A_559 = tpu.memref_slice %arg3[%add3A_549] : memref<320000xi32, #tpu.memory_space<hbm>> -> memref<80xi32, #tpu.memory_space<hbm>>
          tpu.enqueue_dma source(%dma_start3A_559 : memref<80xi32, #tpu.memory_space<hbm>>) target(%dma_start3A_558 : memref<80xi32, #tpu.memory_space<vmem>>) target_semaphore(%dma_start3A_555 : memref<!tpu.dma_semaphore, #tpu.memory_space<semaphore_mem>>)
          %add3A_560 = arith.constant 160000 : i32
          %add3A_561 = arith.addi %add3A_560, %add3A_549 : i32
          %dma_start3A_562 = arith.constant 0 : i32
          %dma_start3A_563 = tpu.memref_slice %arg12[%rem3A_544, %dma_start3A_562] : memref<6x80xi32, #tpu.memory_space<vmem>> -> memref<1x80xi32, #tpu.memory_space<vmem>>
          %dma_start3A_564 = tpu.memref_squeeze %dma_start3A_563 : memref<1x80xi32, #tpu.memory_space<vmem>> -> memref<80xi32, #tpu.memory_space<vmem>>
          %dma_start3A_565 = tpu.memref_slice %arg3[%add3A_561] : memref<320000xi32, #tpu.memory_space<hbm>> -> memref<80xi32, #tpu.memory_space<hbm>>
          %dma_start3A_566 = tpu.memref_slice %arg16[%rem3A_544] : memref<6x!tpu.dma_semaphore, #tpu.memory_space<semaphore_mem>> -> memref<1x!tpu.dma_semaphore, #tpu.memory_space<semaphore_mem>>
          %dma_start3A_567 = tpu.memref_squeeze %dma_start3A_566 : memref<1x!tpu.dma_semaphore, #tpu.memory_space<semaphore_mem>> -> memref<!tpu.dma_semaphore, #tpu.memory_space<semaphore_mem>>
          %dma_start3A_568 = arith.constant 0 : i32
          %dma_start3A_569 = tpu.memref_slice %arg12[%rem3A_544, %dma_start3A_568] : memref<6x80xi32, #tpu.memory_space<vmem>> -> memref<1x80xi32, #tpu.memory_space<vmem>>
          %dma_start3A_570 = tpu.memref_squeeze %dma_start3A_569 : memref<1x80xi32, #tpu.memory_space<vmem>> -> memref<80xi32, #tpu.memory_space<vmem>>
          %dma_start3A_571 = tpu.memref_slice %arg3[%add3A_561] : memref<320000xi32, #tpu.memory_space<hbm>> -> memref<80xi32, #tpu.memory_space<hbm>>
          tpu.enqueue_dma source(%dma_start3A_571 : memref<80xi32, #tpu.memory_space<hbm>>) target(%dma_start3A_570 : memref<80xi32, #tpu.memory_space<vmem>>) target_semaphore(%dma_start3A_567 : memref<!tpu.dma_semaphore, #tpu.memory_space<semaphore_mem>>)
        } else {
        }
      } else {
      }
      %add3A_476 = arith.constant 2 : i32
      %add3A_477 = arith.addi %scan3A_467, %add3A_476 : i32
      %lt3A_478 = arith.constant 125 : i32
      %lt3A_479 = arith.cmpi slt, %add3A_477, %lt3A_478 : i32
      %convert_element_type3A_480 = arith.extui %lt3A_479 : i1 to i32
      %cond3A_481 = arith.constant 0 : i32
      %cond3A_482 = arith.cmpi ne, %convert_element_type3A_480, %cond3A_481 : i32
      scf.if %cond3A_482 {
        %add3A_512 = arith.constant 2 : i32
        %add3A_513 = arith.addi %scan3A_467, %add3A_512 : i32
        %rem3A_514 = arith.constant 6 : i32
        %rem3A_515 = arith.remsi %add3A_513, %rem3A_514 : i32
        %dma_wait3A_516 = arith.constant 0 : i32
        %dma_wait3A_517 = tpu.memref_slice %arg11[%rem3A_515, %dma_wait3A_516] : memref<6x80xi32, #tpu.memory_space<vmem>> -> memref<1x80xi32, #tpu.memory_space<vmem>>
        %dma_wait3A_518 = tpu.memref_squeeze %dma_wait3A_517 : memref<1x80xi32, #tpu.memory_space<vmem>> -> memref<80xi32, #tpu.memory_space<vmem>>
        %dma_wait3A_519 = arith.constant 0 : i32
        %dma_wait3A_520 = tpu.memref_slice %arg3[%dma_wait3A_519] : memref<320000xi32, #tpu.memory_space<hbm>> -> memref<80xi32, #tpu.memory_space<hbm>>
        %dma_wait3A_521 = tpu.memref_slice %arg16[%rem3A_515] : memref<6x!tpu.dma_semaphore, #tpu.memory_space<semaphore_mem>> -> memref<1x!tpu.dma_semaphore, #tpu.memory_space<semaphore_mem>>
        %dma_wait3A_522 = tpu.memref_squeeze %dma_wait3A_521 : memref<1x!tpu.dma_semaphore, #tpu.memory_space<semaphore_mem>> -> memref<!tpu.dma_semaphore, #tpu.memory_space<semaphore_mem>>
        %dma_wait3A_523 = arith.constant 0 : i32
        %dma_wait3A_524 = tpu.memref_slice %arg11[%rem3A_515, %dma_wait3A_523] : memref<6x80xi32, #tpu.memory_space<vmem>> -> memref<1x80xi32, #tpu.memory_space<vmem>>
        %dma_wait3A_525 = tpu.memref_squeeze %dma_wait3A_524 : memref<1x80xi32, #tpu.memory_space<vmem>> -> memref<80xi32, #tpu.memory_space<vmem>>
        %dma_wait3A_526 = arith.constant 0 : i32
        %dma_wait3A_527 = tpu.memref_slice %arg3[%dma_wait3A_526] : memref<320000xi32, #tpu.memory_space<hbm>> -> memref<80xi32, #tpu.memory_space<hbm>>
        tpu.wait_dma2 semaphore(%dma_wait3A_522 : memref<!tpu.dma_semaphore, #tpu.memory_space<semaphore_mem>>) src(%dma_wait3A_527 : memref<80xi32, #tpu.memory_space<hbm>>) dst(%dma_wait3A_525 : memref<80xi32, #tpu.memory_space<vmem>>)
        %dma_wait3A_528 = arith.constant 0 : i32
        %dma_wait3A_529 = tpu.memref_slice %arg12[%rem3A_515, %dma_wait3A_528] : memref<6x80xi32, #tpu.memory_space<vmem>> -> memref<1x80xi32, #tpu.memory_space<vmem>>
        %dma_wait3A_530 = tpu.memref_squeeze %dma_wait3A_529 : memref<1x80xi32, #tpu.memory_space<vmem>> -> memref<80xi32, #tpu.memory_space<vmem>>
        %dma_wait3A_531 = arith.constant 0 : i32
        %dma_wait3A_532 = tpu.memref_slice %arg3[%dma_wait3A_531] : memref<320000xi32, #tpu.memory_space<hbm>> -> memref<80xi32, #tpu.memory_space<hbm>>
        %dma_wait3A_533 = tpu.memref_slice %arg16[%rem3A_515] : memref<6x!tpu.dma_semaphore, #tpu.memory_space<semaphore_mem>> -> memref<1x!tpu.dma_semaphore, #tpu.memory_space<semaphore_mem>>
        %dma_wait3A_534 = tpu.memref_squeeze %dma_wait3A_533 : memref<1x!tpu.dma_semaphore, #tpu.memory_space<semaphore_mem>> -> memref<!tpu.dma_semaphore, #tpu.memory_space<semaphore_mem>>
        %dma_wait3A_535 = arith.constant 0 : i32
        %dma_wait3A_536 = tpu.memref_slice %arg12[%rem3A_515, %dma_wait3A_535] : memref<6x80xi32, #tpu.memory_space<vmem>> -> memref<1x80xi32, #tpu.memory_space<vmem>>
        %dma_wait3A_537 = tpu.memref_squeeze %dma_wait3A_536 : memref<1x80xi32, #tpu.memory_space<vmem>> -> memref<80xi32, #tpu.memory_space<vmem>>
        %dma_wait3A_538 = arith.constant 0 : i32
        %dma_wait3A_539 = tpu.memref_slice %arg3[%dma_wait3A_538] : memref<320000xi32, #tpu.memory_space<hbm>> -> memref<80xi32, #tpu.memory_space<hbm>>
        tpu.wait_dma2 semaphore(%dma_wait3A_534 : memref<!tpu.dma_semaphore, #tpu.memory_space<semaphore_mem>>) src(%dma_wait3A_539 : memref<80xi32, #tpu.memory_space<hbm>>) dst(%dma_wait3A_537 : memref<80xi32, #tpu.memory_space<vmem>>)
        %add3A_540 = arith.constant 2 : i32
        %add3A_541 = arith.addi %scan3A_467, %add3A_540 : i32
        %rem3A_542 = arith.constant 3 : i32
        %rem3A_543 = arith.remsi %add3A_541, %rem3A_542 : i32
        %get3A_544 = arith.index_cast %rem3A_515 : i32 to index
        %get3A_545 = arith.constant 0 : index
        %get3A_546 = tpu.vector_load %arg12[%get3A_544, %get3A_545] {strides = array<i32>} : memref<6x80xi32, #tpu.memory_space<vmem>>, vector<1x16xi32>,
        %get3A_547 = vector.shape_cast %get3A_546 : vector<1x16xi32> to vector<16xi32>
        %mul3A_548 = arith.constant 2 : i32
        %mul3A_549 = vector.broadcast %mul3A_548 : i32 to vector<16xi32>
        %mul3A_550 = arith.muli %get3A_547, %mul3A_549 : vector<16xi32>
        %add3A_551 = vector.broadcast %arg0 : i32 to vector<16xi32>
        %add3A_552 = arith.addi %mul3A_550, %add3A_551 : vector<16xi32>
        %swap3A_553 = arith.index_cast %rem3A_543 : i32 to index
        %swap3A_554 = arith.constant 0 : index
        %swap3A_555 = tpu.vector_load %arg13[%swap3A_553, %swap3A_554] {strides = array<i32>} : memref<3x80xi32, #tpu.memory_space<vmem>>, vector<1x16xi32>,
        %swap3A_556 = vector.shape_cast %swap3A_555 : vector<1x16xi32> to vector<16xi32>
        %swap3A_557 = vector.shape_cast %add3A_552 : vector<16xi32> to vector<1x16xi32>
        tpu.vector_store %arg13[%swap3A_553, %swap3A_554], %swap3A_557 {strides = array<i32>} : memref<3x80xi32, #tpu.memory_space<vmem>>, vector<1x16xi32>,
        %get3A_558 = arith.index_cast %rem3A_515 : i32 to index
        %get3A_559 = arith.constant 16 : index
        %get3A_560 = tpu.vector_load %arg12[%get3A_558, %get3A_559] {strides = array<i32>} : memref<6x80xi32, #tpu.memory_space<vmem>>, vector<1x16xi32>,
        %get3A_561 = vector.shape_cast %get3A_560 : vector<1x16xi32> to vector<16xi32>
        %mul3A_562 = arith.constant 2 : i32
        %mul3A_563 = vector.broadcast %mul3A_562 : i32 to vector<16xi32>
        %mul3A_564 = arith.muli %get3A_561, %mul3A_563 : vector<16xi32>
        %add3A_565 = vector.broadcast %arg0 : i32 to vector<16xi32>
        %add3A_566 = arith.addi %mul3A_564, %add3A_565 : vector<16xi32>
        %swap3A_567 = arith.index_cast %rem3A_543 : i32 to index
        %swap3A_568 = arith.constant 16 : index
        %swap3A_569 = tpu.vector_load %arg13[%swap3A_567, %swap3A_568] {strides = array<i32>} : memref<3x80xi32, #tpu.memory_space<vmem>>, vector<1x16xi32>,
        %swap3A_570 = vector.shape_cast %swap3A_569 : vector<1x16xi32> to vector<16xi32>
        %swap3A_571 = vector.shape_cast %add3A_566 : vector<16xi32> to vector<1x16xi32>
        tpu.vector_store %arg13[%swap3A_567, %swap3A_568], %swap3A_571 {strides = array<i32>} : memref<3x80xi32, #tpu.memory_space<vmem>>, vector<1x16xi32>,
        %get3A_572 = arith.index_cast %rem3A_515 : i32 to index
        %get3A_573 = arith.constant 32 : index
        %get3A_574 = tpu.vector_load %arg12[%get3A_572, %get3A_573] {strides = array<i32>} : memref<6x80xi32, #tpu.memory_space<vmem>>, vector<1x16xi32>,
        %get3A_575 = vector.shape_cast %get3A_574 : vector<1x16xi32> to vector<16xi32>
        %mul3A_576 = arith.constant 2 : i32
        %mul3A_577 = vector.broadcast %mul3A_576 : i32 to vector<16xi32>
        %mul3A_578 = arith.muli %get3A_575, %mul3A_577 : vector<16xi32>
        %add3A_579 = vector.broadcast %arg0 : i32 to vector<16xi32>
        %add3A_580 = arith.addi %mul3A_578, %add3A_579 : vector<16xi32>
        %swap3A_581 = arith.index_cast %rem3A_543 : i32 to index
        %swap3A_582 = arith.constant 32 : index
        %swap3A_583 = tpu.vector_load %arg13[%swap3A_581, %swap3A_582] {strides = array<i32>} : memref<3x80xi32, #tpu.memory_space<vmem>>, vector<1x16xi32>,
        %swap3A_584 = vector.shape_cast %swap3A_583 : vector<1x16xi32> to vector<16xi32>
        %swap3A_585 = vector.shape_cast %add3A_580 : vector<16xi32> to vector<1x16xi32>
        tpu.vector_store %arg13[%swap3A_581, %swap3A_582], %swap3A_585 {strides = array<i32>} : memref<3x80xi32, #tpu.memory_space<vmem>>, vector<1x16xi32>,
        %get3A_586 = arith.index_cast %rem3A_515 : i32 to index
        %get3A_587 = arith.constant 48 : index
        %get3A_588 = tpu.vector_load %arg12[%get3A_586, %get3A_587] {strides = array<i32>} : memref<6x80xi32, #tpu.memory_space<vmem>>, vector<1x16xi32>,
        %get3A_589 = vector.shape_cast %get3A_588 : vector<1x16xi32> to vector<16xi32>
        %mul3A_590 = arith.constant 2 : i32
        %mul3A_591 = vector.broadcast %mul3A_590 : i32 to vector<16xi32>
        %mul3A_592 = arith.muli %get3A_589, %mul3A_591 : vector<16xi32>
        %add3A_593 = vector.broadcast %arg0 : i32 to vector<16xi32>
        %add3A_594 = arith.addi %mul3A_592, %add3A_593 : vector<16xi32>
        %swap3A_595 = arith.index_cast %rem3A_543 : i32 to index
        %swap3A_596 = arith.constant 48 : index
        %swap3A_597 = tpu.vector_load %arg13[%swap3A_595, %swap3A_596] {strides = array<i32>} : memref<3x80xi32, #tpu.memory_space<vmem>>, vector<1x16xi32>,
        %swap3A_598 = vector.shape_cast %swap3A_597 : vector<1x16xi32> to vector<16xi32>
        %swap3A_599 = vector.shape_cast %add3A_594 : vector<16xi32> to vector<1x16xi32>
        tpu.vector_store %arg13[%swap3A_595, %swap3A_596], %swap3A_599 {strides = array<i32>} : memref<3x80xi32, #tpu.memory_space<vmem>>, vector<1x16xi32>,
        %get3A_600 = arith.index_cast %rem3A_515 : i32 to index
        %get3A_601 = arith.constant 64 : index
        %get3A_602 = tpu.vector_load %arg12[%get3A_600, %get3A_601] {strides = array<i32>} : memref<6x80xi32, #tpu.memory_space<vmem>>, vector<1x16xi32>,
        %get3A_603 = vector.shape_cast %get3A_602 : vector<1x16xi32> to vector<16xi32>
        %mul3A_604 = arith.constant 2 : i32
        %mul3A_605 = vector.broadcast %mul3A_604 : i32 to vector<16xi32>
        %mul3A_606 = arith.muli %get3A_603, %mul3A_605 : vector<16xi32>
        %add3A_607 = vector.broadcast %arg0 : i32 to vector<16xi32>
        %add3A_608 = arith.addi %mul3A_606, %add3A_607 : vector<16xi32>
        %swap3A_609 = arith.index_cast %rem3A_543 : i32 to index
        %swap3A_610 = arith.constant 64 : index
        %swap3A_611 = tpu.vector_load %arg13[%swap3A_609, %swap3A_610] {strides = array<i32>} : memref<3x80xi32, #tpu.memory_space<vmem>>, vector<1x16xi32>,
        %swap3A_612 = vector.shape_cast %swap3A_611 : vector<1x16xi32> to vector<16xi32>
        %swap3A_613 = vector.shape_cast %add3A_608 : vector<16xi32> to vector<1x16xi32>
        tpu.vector_store %arg13[%swap3A_609, %swap3A_610], %swap3A_613 {strides = array<i32>} : memref<3x80xi32, #tpu.memory_space<vmem>>, vector<1x16xi32>,
        %dma_start3A_614 = arith.constant 0 : i32
        %dma_start3A_615 = arith.constant 0 : i32
        %dma_start3A_616 = tpu.memref_slice %arg14[%rem3A_543, %dma_start3A_614, %dma_start3A_615] : memref<3x80x128xf32, #tpu.memory_space<vmem>> -> memref<1x80x128xf32, #tpu.memory_space<vmem>>
        %dma_start3A_617 = tpu.memref_squeeze %dma_start3A_616 : memref<1x80x128xf32, #tpu.memory_space<vmem>> -> memref<80x128xf32, #tpu.memory_space<vmem>>
        %dma_start3A_618 = arith.constant 0 : i32
        %dma_start3A_619 = tpu.memref_slice %arg13[%rem3A_543, %dma_start3A_618] : memref<3x80xi32, #tpu.memory_space<vmem>> -> memref<1x80xi32, #tpu.memory_space<vmem>>
        %dma_start3A_620 = tpu.memref_squeeze %dma_start3A_619 : memref<1x80xi32, #tpu.memory_space<vmem>> -> memref<80xi32, #tpu.memory_space<vmem>>
        %dma_start3A_621 = arith.constant 0 : i32
        %dma_start3A_622 = arith.constant 0 : i32
        %dma_start3A_623 = tpu.memref_slice %arg2[%dma_start3A_621, %dma_start3A_622] : memref<20000x128xf32, #tpu.memory_space<hbm>> -> memref<20000x128xf32, #tpu.memory_space<hbm>>
        %dma_start3A_624 = tpu.memref_slice %arg17[%rem3A_543] : memref<3x!tpu.dma_semaphore, #tpu.memory_space<semaphore_mem>> -> memref<1x!tpu.dma_semaphore, #tpu.memory_space<semaphore_mem>>
        %dma_start3A_625 = tpu.memref_squeeze %dma_start3A_624 : memref<1x!tpu.dma_semaphore, #tpu.memory_space<semaphore_mem>> -> memref<!tpu.dma_semaphore, #tpu.memory_space<semaphore_mem>>
        tpu.enqueue_indirect_dma source(%dma_start3A_623 : memref<20000x128xf32, #tpu.memory_space<hbm>>) target(%dma_start3A_617 : memref<80x128xf32, #tpu.memory_space<vmem>>) offsets(%dma_start3A_620 : memref<80xi32, #tpu.memory_space<vmem>>) semaphore(%dma_start3A_625 : memref<!tpu.dma_semaphore, #tpu.memory_space<semaphore_mem>>)
      } else {
      }
      %dma_wait3A_483 = arith.constant 0 : i32
      %dma_wait3A_484 = arith.constant 0 : i32
      %dma_wait3A_485 = tpu.memref_slice %arg14[%rem3A_469, %dma_wait3A_483, %dma_wait3A_484] : memref<3x80x128xf32, #tpu.memory_space<vmem>> -> memref<1x80x128xf32, #tpu.memory_space<vmem>>
      %dma_wait3A_486 = tpu.memref_squeeze %dma_wait3A_485 : memref<1x80x128xf32, #tpu.memory_space<vmem>> -> memref<80x128xf32, #tpu.memory_space<vmem>>
      %dma_wait3A_487 = arith.constant 0 : i32
      %dma_wait3A_488 = tpu.memref_slice %arg13[%rem3A_469, %dma_wait3A_487] : memref<3x80xi32, #tpu.memory_space<vmem>> -> memref<1x80xi32, #tpu.memory_space<vmem>>
      %dma_wait3A_489 = tpu.memref_squeeze %dma_wait3A_488 : memref<1x80xi32, #tpu.memory_space<vmem>> -> memref<80xi32, #tpu.memory_space<vmem>>
      %dma_wait3A_490 = arith.constant 0 : i32
      %dma_wait3A_491 = arith.constant 0 : i32
      %dma_wait3A_492 = tpu.memref_slice %arg2[%dma_wait3A_490, %dma_wait3A_491] : memref<20000x128xf32, #tpu.memory_space<hbm>> -> memref<20000x128xf32, #tpu.memory_space<hbm>>
      %dma_wait3A_493 = tpu.memref_slice %arg17[%rem3A_469] : memref<3x!tpu.dma_semaphore, #tpu.memory_space<semaphore_mem>> -> memref<1x!tpu.dma_semaphore, #tpu.memory_space<semaphore_mem>>
      %dma_wait3A_494 = tpu.memref_squeeze %dma_wait3A_493 : memref<1x!tpu.dma_semaphore, #tpu.memory_space<semaphore_mem>> -> memref<!tpu.dma_semaphore, #tpu.memory_space<semaphore_mem>>
      tpu.wait_indirect_dma semaphore(%dma_wait3A_494 : memref<!tpu.dma_semaphore, #tpu.memory_space<semaphore_mem>>) src(%dma_wait3A_492 : memref<20000x128xf32, #tpu.memory_space<hbm>>) dst(%dma_wait3A_486 : memref<80x128xf32, #tpu.memory_space<vmem>>)
      %dma_start3A_495 = arith.constant 0 : i32
      %dma_start3A_496 = arith.constant 0 : i32
      %dma_start3A_497 = tpu.memref_slice %arg14[%rem3A_469, %dma_start3A_495, %dma_start3A_496] : memref<3x80x128xf32, #tpu.memory_space<vmem>> -> memref<1x80x128xf32, #tpu.memory_space<vmem>>
      %dma_start3A_498 = tpu.memref_squeeze %dma_start3A_497 : memref<1x80x128xf32, #tpu.memory_space<vmem>> -> memref<80x128xf32, #tpu.memory_space<vmem>>
      %dma_start3A_499 = arith.constant 0 : i32
      %dma_start3A_500 = tpu.memref_slice %arg11[%rem3A_471, %dma_start3A_499] : memref<6x80xi32, #tpu.memory_space<vmem>> -> memref<1x80xi32, #tpu.memory_space<vmem>>
      %dma_start3A_501 = tpu.memref_squeeze %dma_start3A_500 : memref<1x80xi32, #tpu.memory_space<vmem>> -> memref<80xi32, #tpu.memory_space<vmem>>
      %dma_start3A_502 = arith.constant 0 : i32
      %dma_start3A_503 = arith.constant 0 : i32
      %dma_start3A_504 = tpu.memref_slice %arg9[%dma_start3A_502, %dma_start3A_503] : memref<10008x128xf32, #tpu.memory_space<vmem_shared>> -> memref<10008x128xf32, #tpu.memory_space<vmem_shared>>
      %dma_start3A_505 = tpu.memref_slice %arg18[%rem3A_469] : memref<3x!tpu.dma_semaphore, #tpu.memory_space<semaphore_mem>> -> memref<1x!tpu.dma_semaphore, #tpu.memory_space<semaphore_mem>>
      %dma_start3A_506 = tpu.memref_squeeze %dma_start3A_505 : memref<1x!tpu.dma_semaphore, #tpu.memory_space<semaphore_mem>> -> memref<!tpu.dma_semaphore, #tpu.memory_space<semaphore_mem>>
      tpu.enqueue_indirect_dma source(%dma_start3A_498 : memref<80x128xf32, #tpu.memory_space<vmem>>) target(%dma_start3A_504 : memref<10008x128xf32, #tpu.memory_space<vmem_shared>>) offsets(%dma_start3A_501 : memref<80xi32, #tpu.memory_space<vmem>>) semaphore(%dma_start3A_506 : memref<!tpu.dma_semaphore, #tpu.memory_space<semaphore_mem>>) {add = true}
      %eq3A_507 = arith.constant 0 : i32
      %eq3A_508 = arith.cmpi eq, %arg0, %eq3A_507 : i32
      %convert_element_type3A_509 = arith.extui %eq3A_508 : i1 to i32
      %cond3A_510 = arith.constant 0 : i32
      %cond3A_511 = arith.cmpi ne, %convert_element_type3A_509, %cond3A_510 : i32
      scf.if %cond3A_511 {
        %dma_start3A_512 = arith.constant 0 : i32
        %dma_start3A_513 = tpu.memref_slice %arg11[%rem3A_471, %dma_start3A_512] : memref<6x80xi32, #tpu.memory_space<vmem>> -> memref<1x80xi32, #tpu.memory_space<vmem>>
        %dma_start3A_514 = tpu.memref_squeeze %dma_start3A_513 : memref<1x80xi32, #tpu.memory_space<vmem>> -> memref<80xi32, #tpu.memory_space<vmem>>
        %dma_start3A_515 = arith.constant 0 : i32
        %dma_start3A_516 = arith.constant 0 : i32
        %dma_start3A_517 = tpu.memref_slice %arg10[%dma_start3A_515, %dma_start3A_516] : memref<10008x16xf32, #tpu.memory_space<vmem_shared>> -> memref<10008x16xf32, #tpu.memory_space<vmem_shared>>
        tpu.enqueue_indirect_dma source(%arg15 : memref<80x16xf32, #tpu.memory_space<vmem>>) target(%dma_start3A_517 : memref<10008x16xf32, #tpu.memory_space<vmem_shared>>) offsets(%dma_start3A_514 : memref<80xi32, #tpu.memory_space<vmem>>) semaphore(%arg19 : memref<!tpu.dma_semaphore, #tpu.memory_space<semaphore_mem>>) {add = true}
      } else {
      }
    }
    %scan3A_432 = arith.constant 125 : i32
    %rem3A = arith.constant 124 : i32
    %rem3A_433 = arith.constant 3 : i32
    %rem3A_434 = arith.remsi %rem3A, %rem3A_433 : i32
    %dma_wait3A_435 = arith.constant 0 : i32
    %dma_wait3A_436 = arith.constant 0 : i32
    %dma_wait3A_437 = arith.constant 0 : i32
    %dma_wait3A_438 = tpu.memref_slice %arg14[%rem3A_434, %dma_wait3A_436, %dma_wait3A_437] : memref<3x80x128xf32, #tpu.memory_space<vmem>> -> memref<1x80x128xf32, #tpu.memory_space<vmem>>
    %dma_wait3A_439 = tpu.memref_squeeze %dma_wait3A_438 : memref<1x80x128xf32, #tpu.memory_space<vmem>> -> memref<80x128xf32, #tpu.memory_space<vmem>>
    %dma_wait3A_440 = arith.constant 0 : i32
    %dma_wait3A_441 = tpu.memref_slice %arg11[%dma_wait3A_435, %dma_wait3A_440] : memref<6x80xi32, #tpu.memory_space<vmem>> -> memref<1x80xi32, #tpu.memory_space<vmem>>
    %dma_wait3A_442 = tpu.memref_squeeze %dma_wait3A_441 : memref<1x80xi32, #tpu.memory_space<vmem>> -> memref<80xi32, #tpu.memory_space<vmem>>
    %dma_wait3A_443 = arith.constant 0 : i32
    %dma_wait3A_444 = arith.constant 0 : i32
    %dma_wait3A_445 = tpu.memref_slice %arg9[%dma_wait3A_443, %dma_wait3A_444] : memref<10008x128xf32, #tpu.memory_space<vmem_shared>> -> memref<10008x128xf32, #tpu.memory_space<vmem_shared>>
    %dma_wait3A_446 = tpu.memref_slice %arg18[%rem3A_434] : memref<3x!tpu.dma_semaphore, #tpu.memory_space<semaphore_mem>> -> memref<1x!tpu.dma_semaphore, #tpu.memory_space<semaphore_mem>>
    %dma_wait3A_447 = tpu.memref_squeeze %dma_wait3A_446 : memref<1x!tpu.dma_semaphore, #tpu.memory_space<semaphore_mem>> -> memref<!tpu.dma_semaphore, #tpu.memory_space<semaphore_mem>>
    tpu.wait_indirect_dma semaphore(%dma_wait3A_447 : memref<!tpu.dma_semaphore, #tpu.memory_space<semaphore_mem>>) src(%dma_wait3A_439 : memref<80x128xf32, #tpu.memory_space<vmem>>) dst(%dma_wait3A_445 : memref<10008x128xf32, #tpu.memory_space<vmem_shared>>)
    %eq3A_448 = arith.constant 0 : i32
    %eq3A_449 = arith.cmpi eq, %arg0, %eq3A_448 : i32
    %convert_element_type3A_450 = arith.extui %eq3A_449 : i1 to i32
    %cond3A_451 = arith.constant 0 : i32
    %cond3A_452 = arith.cmpi ne, %convert_element_type3A_450, %cond3A_451 : i32
    scf.if %cond3A_452 {
      %scan3A_467 = arith.constant 0 : i32
      %scan3A_468 = arith.constant 0 : i32
      %scan3A_469 = arith.constant 125 : i32
      %scan3A_470 = arith.addi %scan3A_468, %scan3A_469 : i32
      %scan3A_471 = arith.constant 1 : i32
      scf.for %scan3A_473 = %scan3A_468 to %scan3A_470 step %scan3A_471  : i32 {
        %dma_wait3A_474 = arith.constant 0 : i32
        %dma_wait3A_475 = arith.constant 0 : i32
        %dma_wait3A_476 = tpu.memref_slice %arg11[%dma_wait3A_474, %dma_wait3A_475] : memref<6x80xi32, #tpu.memory_space<vmem>> -> memref<1x80xi32, #tpu.memory_space<vmem>>
        %dma_wait3A_477 = tpu.memref_squeeze %dma_wait3A_476 : memref<1x80xi32, #tpu.memory_space<vmem>> -> memref<80xi32, #tpu.memory_space<vmem>>
        %dma_wait3A_478 = arith.constant 0 : i32
        %dma_wait3A_479 = arith.constant 0 : i32
        %dma_wait3A_480 = tpu.memref_slice %arg10[%dma_wait3A_478, %dma_wait3A_479] : memref<10008x16xf32, #tpu.memory_space<vmem_shared>> -> memref<10008x16xf32, #tpu.memory_space<vmem_shared>>
        tpu.wait_indirect_dma semaphore(%arg19 : memref<!tpu.dma_semaphore, #tpu.memory_space<semaphore_mem>>) src(%arg15 : memref<80x16xf32, #tpu.memory_space<vmem>>) dst(%dma_wait3A_480 : memref<10008x16xf32, #tpu.memory_space<vmem_shared>>)
      }
      %scan3A_472 = arith.constant 125 : i32
    } else {
    }
    %barrier3A_453 = arith.constant 0 : index
    tpu.barrier barrier_id(%barrier3A_453)
    %lt3A_454 = arith.constant 16 : i32
    %lt3A_455 = arith.cmpi slt, %arg1, %lt3A_454 : i32
    %convert_element_type3A_456 = arith.extui %lt3A_455 : i1 to i32
    %cond3A_457 = arith.constant 0 : i32
    %cond3A_458 = arith.cmpi ne, %convert_element_type3A_456, %cond3A_457 : i32
    scf.if %cond3A_458 {
      %mul3A_467 = arith.constant 625 : i32
      %mul3A_468 = arith.muli %arg1, %mul3A_467 : i32
      %mul3A_469 = arith.constant 10000 : i32
      %mul3A_470 = arith.muli %arg0, %mul3A_469 : i32
      %mul3A_471 = arith.constant 625 : i32
      %mul3A_472 = arith.muli %arg1, %mul3A_471 : i32
      %add3A_473 = arith.addi %mul3A_470, %mul3A_472 : i32
      "tpu.region"() ({
        %run_scoped3A = tpu.sem_alloc : memref<!tpu.dma_semaphore, #tpu.memory_space<semaphore_mem>>
        %dma_start3A_474 = arith.constant 0 : i32
        %dma_start3A_475 = tpu.memref_slice %arg7[%add3A_473, %dma_start3A_474] : memref<20000x128xf32, #tpu.memory_space<hbm>> -> memref<625x128xf32, #tpu.memory_space<hbm>>
        %dma_start3A_476 = arith.constant 0 : i32
        %dma_start3A_477 = tpu.memref_slice %arg9[%mul3A_468, %dma_start3A_476] : memref<10008x128xf32, #tpu.memory_space<vmem_shared>> -> memref<625x128xf32, #tpu.memory_space<vmem_shared>>
        tpu.enqueue_dma source(%dma_start3A_477 : memref<625x128xf32, #tpu.memory_space<vmem_shared>>) target(%dma_start3A_475 : memref<625x128xf32, #tpu.memory_space<hbm>>) target_semaphore(%run_scoped3A : memref<!tpu.dma_semaphore, #tpu.memory_space<semaphore_mem>>)
        %dma_wait3A_478 = arith.constant 0 : i32
        %dma_wait3A_479 = tpu.memref_slice %arg7[%add3A_473, %dma_wait3A_478] : memref<20000x128xf32, #tpu.memory_space<hbm>> -> memref<625x128xf32, #tpu.memory_space<hbm>>
        %dma_wait3A_480 = arith.constant 0 : i32
        %dma_wait3A_481 = tpu.memref_slice %arg9[%mul3A_468, %dma_wait3A_480] : memref<10008x128xf32, #tpu.memory_space<vmem_shared>> -> memref<625x128xf32, #tpu.memory_space<vmem_shared>>
        tpu.wait_dma2 semaphore(%run_scoped3A : memref<!tpu.dma_semaphore, #tpu.memory_space<semaphore_mem>>) src(%dma_wait3A_481 : memref<625x128xf32, #tpu.memory_space<vmem_shared>>) dst(%dma_wait3A_479 : memref<625x128xf32, #tpu.memory_space<hbm>>)
        tpu.yield
      }) : () -> ()
    } else {
    }
    %lt3A_459 = arith.constant 16 : i32
    %lt3A_460 = arith.cmpi slt, %arg1, %lt3A_459 : i32
    %eq3A_461 = arith.constant 0 : i32
    %eq3A_462 = arith.cmpi eq, %arg0, %eq3A_461 : i32
    %and3A_463 = arith.andi %lt3A_460, %eq3A_462 : i1
    %convert_element_type3A_464 = arith.extui %and3A_463 : i1 to i32
    %cond3A_465 = arith.constant 0 : i32
    %cond3A_466 = arith.cmpi ne, %convert_element_type3A_464, %cond3A_465 : i32
    scf.if %cond3A_466 {
      %mul3A_467 = arith.constant 625 : i32
      %mul3A_468 = arith.muli %arg1, %mul3A_467 : i32
      %mul3A_469 = arith.constant 625 : i32
      %mul3A_470 = arith.muli %arg1, %mul3A_469 : i32
      "tpu.region"() ({
        %run_scoped3A = tpu.sem_alloc : memref<!tpu.dma_semaphore, #tpu.memory_space<semaphore_mem>>
        %dma_start3A_471 = arith.constant 0 : i32
        %dma_start3A_472 = tpu.memref_slice %arg8[%mul3A_470, %dma_start3A_471] : memref<10000x16xf32, #tpu.memory_space<hbm>> -> memref<625x16xf32, #tpu.memory_space<hbm>>
        %dma_start3A_473 = arith.constant 0 : i32
        %dma_start3A_474 = tpu.memref_slice %arg10[%mul3A_468, %dma_start3A_473] : memref<10008x16xf32, #tpu.memory_space<vmem_shared>> -> memref<625x16xf32, #tpu.memory_space<vmem_shared>>
        tpu.enqueue_dma source(%dma_start3A_474 : memref<625x16xf32, #tpu.memory_space<vmem_shared>>) target(%dma_start3A_472 : memref<625x16xf32, #tpu.memory_space<hbm>>) target_semaphore(%run_scoped3A : memref<!tpu.dma_semaphore, #tpu.memory_space<semaphore_mem>>)
        %dma_wait3A_475 = arith.constant 0 : i32
        %dma_wait3A_476 = tpu.memref_slice %arg8[%mul3A_470, %dma_wait3A_475] : memref<10000x16xf32, #tpu.memory_space<hbm>> -> memref<625x16xf32, #tpu.memory_space<hbm>>
        %dma_wait3A_477 = arith.constant 0 : i32
        %dma_wait3A_478 = tpu.memref_slice %arg10[%mul3A_468, %dma_wait3A_477] : memref<10008x16xf32, #tpu.memory_space<vmem_shared>> -> memref<625x16xf32, #tpu.memory_space<vmem_shared>>
        tpu.wait_dma2 semaphore(%run_scoped3A : memref<!tpu.dma_semaphore, #tpu.memory_space<semaphore_mem>>) src(%dma_wait3A_478 : memref<625x16xf32, #tpu.memory_space<vmem_shared>>) dst(%dma_wait3A_476 : memref<625x16xf32, #tpu.memory_space<hbm>>)
        tpu.yield
      }) : () -> ()
    } else {
    }
    return
  }
}

module attributes {stable_mosaic.version = 14 : i64} {
  func.func @body(%arg0: i32, %arg1: memref<2000x256xf32, #tpu.memory_space<vmem>>, %arg2: memref<2000x128xf32, #tpu.memory_space<vmem>>, %arg3: memref<2000x128xf32, #tpu.memory_space<vmem>>, %arg4: memref<2000x16xf32, #tpu.memory_space<vmem>>, %arg5: memref<512x256xf32, #tpu.memory_space<vmem>>, %arg6: memref<512x256xf32, #tpu.memory_space<vmem>>, %arg7: memref<1x512xf32, #tpu.memory_space<vmem>>, %arg8: memref<1x512xf32, #tpu.memory_space<vmem>>, %arg9: memref<2000x512xf32, #tpu.memory_space<vmem>>) attributes {dimension_semantics = [#tpu.dimension_semantics<arbitrary>], iteration_bounds = array<i64: 5>, scalar_prefetch = 0 : i64, scratch_operands = 0 : i64, tpu.core_type = #tpu.core_type<tc>, window_params = [{transform_indices = @transform_0, window_bounds = array<i64: 2000, 256>}, {transform_indices = @transform_1, window_bounds = array<i64: 2000, 128>}, {transform_indices = @transform_2, window_bounds = array<i64: 2000, 128>}, {transform_indices = @transform_3, window_bounds = array<i64: 2000, 16>}, {pipeline_mode = #tpu.pipeline_mode<synchronous>, transform_indices = @transform_4, window_bounds = array<i64: 512, 256>}, {pipeline_mode = #tpu.pipeline_mode<synchronous>, transform_indices = @transform_5, window_bounds = array<i64: 512, 256>}, {pipeline_mode = #tpu.pipeline_mode<synchronous>, transform_indices = @transform_6, window_bounds = array<i64: 1, 512>}, {pipeline_mode = #tpu.pipeline_mode<synchronous>, transform_indices = @transform_7, window_bounds = array<i64: 1, 512>}, {transform_indices = @transform_8, window_bounds = array<i64: 2000, 512>}]} {
    %get3A = arith.constant 0 : index
    %get3A_0 = arith.constant 0 : index
    %get3A_1 = vector.load %arg4[%get3A, %get3A_0] : memref<2000x16xf32, #tpu.memory_space<vmem>>, vector<2000x16xf32>
    %slice3A = vector.extract_strided_slice %get3A_1 {offsets = [0, 0], sizes = [2000, 1], strides = [1, 1]} : vector<2000x16xf32> to vector<2000x1xf32>
    %add3A = arith.constant 9.99999996E-13 : f32
    %add3A_2 = vector.broadcast %add3A : f32 to vector<2000x1xf32>
    %add3A_3 = arith.addf %slice3A, %add3A_2 : vector<2000x1xf32>
    %div3A = arith.constant 1.000000e+00 : f32
    %div3A_4 = vector.broadcast %div3A : f32 to vector<2000x1xf32>
    %div3A_5 = arith.divf %div3A_4, %add3A_3 : vector<2000x1xf32>
    %get3A_6 = arith.constant 0 : index
    %get3A_7 = arith.constant 0 : index
    %get3A_8 = vector.load %arg2[%get3A_6, %get3A_7] : memref<2000x128xf32, #tpu.memory_space<vmem>>, vector<2000x128xf32>
    %mul3A = vector.broadcast %div3A_5 : vector<2000x1xf32> to vector<2000x128xf32>
    %mul3A_9 = arith.mulf %get3A_8, %mul3A : vector<2000x128xf32>
    %get3A_10 = arith.constant 0 : index
    %get3A_11 = arith.constant 0 : index
    %get3A_12 = vector.load %arg3[%get3A_10, %get3A_11] : memref<2000x128xf32, #tpu.memory_space<vmem>>, vector<2000x128xf32>
    %mul3A_13 = vector.broadcast %div3A_5 : vector<2000x1xf32> to vector<2000x128xf32>
    %mul3A_14 = arith.mulf %get3A_12, %mul3A_13 : vector<2000x128xf32>
    %get3A_15 = arith.constant 0 : index
    %get3A_16 = arith.constant 0 : index
    %get3A_17 = vector.load %arg1[%get3A_15, %get3A_16] : memref<2000x256xf32, #tpu.memory_space<vmem>>, vector<2000x256xf32>
    %get3A_18 = arith.constant 0 : index
    %get3A_19 = arith.constant 0 : index
    %get3A_20 = vector.load %arg5[%get3A_18, %get3A_19] : memref<512x256xf32, #tpu.memory_space<vmem>>, vector<512x256xf32>
    %get3A_21 = arith.constant 0 : index
    %get3A_22 = arith.constant 0 : index
    %get3A_23 = vector.load %arg6[%get3A_21, %get3A_22] : memref<512x256xf32, #tpu.memory_space<vmem>>, vector<512x256xf32>
    %dot_general3A = arith.constant dense<0.000000e+00> : vector<2000x512xf32>
    %dot_general3A_24 = tpu.matmul %get3A_17, %get3A_20, %dot_general3A {dimension_numbers = #tpu.dot_dimension_numbers<[1], [1], [0], [0], [0, 0, 1, 0], [], []>, transpose_lhs_hint = false} : vector<2000x256xf32>, vector<512x256xf32>, vector<2000x512xf32> -> vector<2000x512xf32>
    %slice3A_25 = vector.extract_strided_slice %get3A_23 {offsets = [0, 0], sizes = [512, 128], strides = [1, 1]} : vector<512x256xf32> to vector<512x128xf32>
    %dot_general3A_26 = arith.constant dense<0.000000e+00> : vector<2000x512xf32>
    %dot_general3A_27 = tpu.matmul %mul3A_9, %slice3A_25, %dot_general3A_26 {dimension_numbers = #tpu.dot_dimension_numbers<[1], [1], [0], [0], [0, 0, 1, 0], [], []>, transpose_lhs_hint = false} : vector<2000x128xf32>, vector<512x128xf32>, vector<2000x512xf32> -> vector<2000x512xf32>
    %add3A_28 = arith.addf %dot_general3A_24, %dot_general3A_27 : vector<2000x512xf32>
    %slice3A_29 = vector.extract_strided_slice %get3A_23 {offsets = [0, 128], sizes = [512, 128], strides = [1, 1]} : vector<512x256xf32> to vector<512x128xf32>
    %dot_general3A_30 = arith.constant dense<0.000000e+00> : vector<2000x512xf32>
    %dot_general3A_31 = tpu.matmul %mul3A_14, %slice3A_29, %dot_general3A_30 {dimension_numbers = #tpu.dot_dimension_numbers<[1], [1], [0], [0], [0, 0, 1, 0], [], []>, transpose_lhs_hint = false} : vector<2000x128xf32>, vector<512x128xf32>, vector<2000x512xf32> -> vector<2000x512xf32>
    %add3A_32 = arith.addf %add3A_28, %dot_general3A_31 : vector<2000x512xf32>
    %get3A_33 = arith.constant 0 : index
    %get3A_34 = arith.constant 0 : index
    %get3A_35 = vector.load %arg7[%get3A_33, %get3A_34] : memref<1x512xf32, #tpu.memory_space<vmem>>, vector<1x512xf32>
    %add3A_36 = vector.broadcast %get3A_35 : vector<1x512xf32> to vector<2000x512xf32>
    %add3A_37 = arith.addf %add3A_32, %add3A_36 : vector<2000x512xf32>
    %get3A_38 = arith.constant 0 : index
    %get3A_39 = arith.constant 0 : index
    %get3A_40 = vector.load %arg8[%get3A_38, %get3A_39] : memref<1x512xf32, #tpu.memory_space<vmem>>, vector<1x512xf32>
    %add3A_41 = vector.broadcast %get3A_40 : vector<1x512xf32> to vector<2000x512xf32>
    %add3A_42 = arith.addf %add3A_37, %add3A_41 : vector<2000x512xf32>
    %max3A = arith.constant 0.000000e+00 : f32
    %max3A_43 = vector.broadcast %max3A : f32 to vector<2000x512xf32>
    %max3A_44 = arith.maximumf %add3A_42, %max3A_43 : vector<2000x512xf32>
    %swap3A = arith.constant 0 : index
    %swap3A_45 = arith.constant 0 : index
    %swap3A_46 = vector.load %arg9[%swap3A, %swap3A_45] : memref<2000x512xf32, #tpu.memory_space<vmem>>, vector<2000x512xf32>
    tpu.vector_store %arg9[%swap3A, %swap3A_45], %max3A_44 {strides = array<i32>} : memref<2000x512xf32, #tpu.memory_space<vmem>>, vector<2000x512xf32>,
    return
  }
  func.func @transform_0(%arg0: i32) -> (i32, i32) {
    %c0_i32 = arith.constant 0 : i32
    %c0_i32_0 = arith.constant 0 : i32
    return %arg0, %c0_i32 : i32, i32
  }
  func.func @transform_1(%arg0: i32) -> (i32, i32) {
    %c0_i32 = arith.constant 0 : i32
    %c0_i32_0 = arith.constant 0 : i32
    return %arg0, %c0_i32 : i32, i32
  }
  func.func @transform_2(%arg0: i32) -> (i32, i32) {
    %add3A = arith.constant 5 : i32
    %add3A_0 = arith.addi %add3A, %arg0 : i32
    %c0_i32 = arith.constant 0 : i32
    %c0_i32_1 = arith.constant 0 : i32
    return %add3A_0, %c0_i32 : i32, i32
  }
  func.func @transform_3(%arg0: i32) -> (i32, i32) {
    %c0_i32 = arith.constant 0 : i32
    %c0_i32_0 = arith.constant 0 : i32
    return %arg0, %c0_i32 : i32, i32
  }
  func.func @transform_4(%arg0: i32) -> (i32, i32) {
    %c0_i32 = arith.constant 0 : i32
    %c0_i32_0 = arith.constant 0 : i32
    %c0_i32_1 = arith.constant 0 : i32
    return %c0_i32, %c0_i32_0 : i32, i32
  }
  func.func @transform_5(%arg0: i32) -> (i32, i32) {
    %c0_i32 = arith.constant 0 : i32
    %c0_i32_0 = arith.constant 0 : i32
    %c0_i32_1 = arith.constant 0 : i32
    return %c0_i32, %c0_i32_0 : i32, i32
  }
  func.func @transform_6(%arg0: i32) -> (i32, i32) {
    %c0_i32 = arith.constant 0 : i32
    %c0_i32_0 = arith.constant 0 : i32
    %c0_i32_1 = arith.constant 0 : i32
    return %c0_i32, %c0_i32_0 : i32, i32
  }
  func.func @transform_7(%arg0: i32) -> (i32, i32) {
    %c0_i32 = arith.constant 0 : i32
    %c0_i32_0 = arith.constant 0 : i32
    %c0_i32_1 = arith.constant 0 : i32
    return %c0_i32, %c0_i32_0 : i32, i32
  }
  func.func @transform_8(%arg0: i32) -> (i32, i32) {
    %c0_i32 = arith.constant 0 : i32
    %c0_i32_0 = arith.constant 0 : i32
    return %arg0, %c0_i32 : i32, i32
  }
}

</mosaic_0001>

<sc_bundles>
// kernel: kernel.4.cloned.1.call-start
scs
__scs_entry_jumppad:
0x0: {  	(pc) =	sbr.rel $0x88, $3  }
0x1: {  	(tag) =	ssettag $0x0;
	lr =	simm.s32 $0x1  }
0x2: {  	[smem:$0x3F9B] =	sst lr;
	_ =	strace $0xD0000000  }
0x3: {  	_ = 	snop  }
0x4: {  	_ = 	snop  }
0x5: {  	_ = 	snop  }
0x6: {  	_ = 	snop  }
0x7: {  	_ = 	snop  }
__scs_overlays_trampoline_lowered:
0x8: {  	[smem:$0x3FAA] =	sst s0  }
0x9: {  	[smem:$0x3FAB] =	sst s1  }
0xa: {  	[smem:$0x3FAC] =	sst s2  }
0xb: {  	[smem:$0x3FAD] =	sst s3  }
0xc: {  	[smem:$0x3FAE] =	sst s4  }
0xd: {  	[smem:$0x3FAF] =	sst s5  }
0xe: {  	[smem:$0x3FB0] =	sst s6  }
0xf: {  	[smem:$0x3FB1] =	sst s7  }
0x10: {  	[smem:$0x3FB2] =	sst s8  }
0x11: {  	[smem:$0x3FB3] =	sst s9;
	s0 =	simm.s32 @!p0 $0x0  }
0x12: {  	s1 =	sld [smem:$0x3F99];
	s0 =	simm.s32 @p0 $0x1  }
0x13: {  	[smem:$0x3FB4] =	sst s0;
	s0 =	simm.s32 @!p1 $0x0  }
0x14: {  	s2 =	sld [smem:$0x3F98];
	s0 =	simm.s32 @p1 $0x1  }
0x15: {  	[smem:$0x3FB5] =	sst s0;
	s0 =	simm.s32 @!p2 $0x0  }
0x16: {  	s3 =	sld [smem:$0x3FDB];
	s0 =	simm.s32 @p2 $0x1  }
0x17: {  	s4 =	simm.s32 $0x1BF5;
	[smem:$0x3FB7] =	sst s0  }
0x18: {  	s0 =	sld [smem:$0x3F9A];
	_ =	swait.ge [sflag:s4], $0x0  }
0x19: {  	s7 =	sld [smem:$0x3F9B]  }
0x1a: {  	s8 =	sadd.s32 $0xFFFFE003, lr  }
0x1b: {  	s9 =	sadd.s32 $0xFFFFFEF7, lr;
	s5 =	simm.s32 $0xFFFFFFFF;
	p2 =	slt.u32 s8, $0xFFFFF086  }
0x1c: {  	p1 =	slt.u32 s9, $0xF7A;
	s5 =	simm.s32 @!p2 $0x0  }
0x1d: {  	s5 =	simm.s32 @p1 $0x1;
	p0 =	seq.s32 s7, s2  }
0x1e: {  	s7 =	smul.u32 @!p0 $0xF7A, s2;
	p2 =	seq.s32 @!p0 s5, $0x0  }
0x1f: {  	s9 =	smul.u32 $0xF7A, s1;
	s8 =	simm.s32 @!p0 $0x1BF5;
	p2 =	por !p2, p0  }
0x20: {  	[sflag:s8] =	ssyncset.s32 @!p0 $0xFFFFF086;
	s6 =	sadd.s32 @!p0 s3, s7;
	s7 =	simm.s32 @!p0 $0x108  }
0x21: {  	s3 =	sadd.s32 s3, s9;
	s6 =	sadd.s32 @!p0 $0x88, s6;
	s7 =	simm.s32 @p2 $0x1082  }
0x22: {  	[simem:s7], [sflag:s8] =	dma.local @!p0 [hbm:s6], $0xF7A  }
0x23: {  	s9 =	sor.u32 $0xD0000000, s2;
	s6 =	simm.s32 $0x108;
	_ =	swait.ge @!p0 [sflag:s8], $0x0  }
0x24: {  	s3 =	sadd.s32 $0x88, s3;
	s6 =	simm.s32 @!p1 $0x1082;
	[sflag:s4] =	ssyncset.s32 $0xFFFFF086  }
0x25: {  	[simem:s6], [sflag:s4] =	dma.local [hbm:s3], $0xF7A  }
0x26: {  	[smem:$0x3F9B] =	sst s1;
	(tag) =	ssettag s2;
	_ =	strace s9  }
0x27: {  	s1 =	sld [smem:$0x3FAB]  }
0x28: {  	s2 =	sld [smem:$0x3FAC]  }
0x29: {  	s4 =	sld [smem:$0x3FAE]  }
0x2a: {  	p0 =	seq.s32 s5, $0x0;
	s5 =	sld [smem:$0x3FAF]  }
0x2b: {  	s6 =	sld [smem:$0x3FB0]  }
0x2c: {  	s7 =	sld [smem:$0x3FB1]  }
0x2d: {  	s3 =	simm.s32 $0x108;
	s8 =	sld [smem:$0x3FB2]  }
0x2e: {  	s3 =	simm.s32 @!p0 $0x1082;
	s9 =	sld [smem:$0x3FB3]  }
0x2f: {  	lr =	sadd.s32 s0, s3;
	s0 =	sld [smem:$0x3FAA]  }
0x30: {  	s3 =	sld [smem:$0x3FAD]  }
0x31: {  	[smem:$0x3FB6] =	sst s10  }
0x32: {  	s10 =	sld [smem:$0x3FB4];
	_ =	sdelay $0x3  }
0x33: {  	p0 =	seq.s32 s10, $0x1;
	s10 =	sld [smem:$0x3FB6];
	_ =	sdelay $0x3  }
0x34: {  	[smem:$0x3FB6] =	sst s10  }
0x35: {  	s10 =	sld [smem:$0x3FB5];
	_ =	sdelay $0x3  }
0x36: {  	p1 =	seq.s32 s10, $0x1;
	s10 =	sld [smem:$0x3FB6];
	_ =	sdelay $0x3  }
0x37: {  	[smem:$0x3FB6] =	sst s10  }
0x38: {  	s10 =	sld [smem:$0x3FB7]  }
0x39: {  	_ = 	snop;
	(pc) =	sbr.ind lr, $3  }
0x3a: {  	_ = 	snop  }
0x3b: {  	_ = 	snop  }
0x3c: {  	p2 =	seq.s32 s10, $0x1;
	s10 =	sld [smem:$0x3FB6]  }
0x3d: {  	_ =	shalt  }
0x3e: {  	_ =	shalt  }
0x3f: {  	_ =	shalt  }
0x40: {  	_ =	shalt  }
0x41: {  	_ =	shalt  }
0x42: {  	_ =	shalt  }
0x43: {  	_ =	shalt  }
0x44: {  	_ =	shalt  }
0x45: {  	_ =	shalt  }
0x46: {  	_ =	shalt  }
0x47: {  	_ =	shalt  }
0x48: {  	_ =	shalt  }
0x49: {  	_ =	shalt  }
0x4a: {  	_ =	shalt  }
0x4b: {  	_ =	shalt  }
0x4c: {  	_ =	shalt  }
0x4d: {  	_ =	shalt  }
0x4e: {  	_ =	shalt  }
0x4f: {  	_ =	shalt  }
0x50: {  	_ =	shalt  }
0x51: {  	_ =	shalt  }
0x52: {  	_ =	shalt  }
0x53: {  	_ =	shalt  }
0x54: {  	_ =	shalt  }
0x55: {  	_ =	shalt  }
0x56: {  	_ =	shalt  }
0x57: {  	_ =	shalt  }
0x58: {  	_ =	shalt  }
0x59: {  	_ =	shalt  }
0x5a: {  	_ =	shalt  }
0x5b: {  	_ =	shalt  }
0x5c: {  	_ =	shalt  }
0x5d: {  	_ =	shalt  }
0x5e: {  	_ =	shalt  }
0x5f: {  	_ =	shalt  }
0x60: {  	_ =	shalt  }
0x61: {  	_ =	shalt  }
0x62: {  	_ =	shalt  }
0x63: {  	_ =	shalt  }
0x64: {  	_ =	shalt  }
0x65: {  	_ =	shalt  }
0x66: {  	_ =	shalt  }
0x67: {  	_ =	shalt  }
0x68: {  	_ =	shalt  }
0x69: {  	_ =	shalt  }
0x6a: {  	_ =	shalt  }
0x6b: {  	_ =	shalt  }
0x6c: {  	_ =	shalt  }
0x6d: {  	_ =	shalt  }
0x6e: {  	_ =	shalt  }
0x6f: {  	_ =	shalt  }
0x70: {  	_ =	shalt  }
0x71: {  	_ =	shalt  }
0x72: {  	_ =	shalt  }
0x73: {  	_ =	shalt  }
0x74: {  	_ =	shalt  }
0x75: {  	_ =	shalt  }
0x76: {  	_ =	shalt  }
0x77: {  	_ =	shalt  }
0x78: {  	_ =	shalt  }
0x79: {  	_ =	shalt  }
0x7a: {  	_ =	shalt  }
0x7b: {  	_ =	shalt  }
0x7c: {  	_ =	shalt  }
0x7d: {  	_ =	shalt  }
0x7e: {  	_ =	shalt  }
0x7f: {  	_ =	shalt  }
0x80: {  	_ =	shalt  }
0x81: {  	_ =	shalt  }
0x82: {  	_ =	shalt  }
0x83: {  	_ =	shalt  }
0x84: {  	_ =	shalt  }
0x85: {  	_ =	shalt  }
0x86: {  	_ =	shalt  }
0x87: {  	_ =	shalt  }
.Lfunc_end0:
.L_simem_size_0:
called_computation_lowered:
.L_overlay_start_0:
0x88: {  	s2 =	sld [smem:$0x3FD9]  }
0x89: {  	s3 =	sld [smem:$0x3FFE];
	_ =	sdelay $0x1  }
0x8a: {  	s1 =	srdreg.scid  }
0x8b: {  	s0 =	sand.u32 $0x1, s1  }
0x8c: {  	s17 =	sshll.u32 s0, $0xA;
	s2 =	sadd.s32 s3, s2  }
0x8d: {  	s2 =	sadd.s32 s2, s17  }
0x8e: {  	[smem:$0x3FC2] =	sst s2  }
0x8f: {  	_ = 	snop  }
0x90: {  	s2 =	sld [smem:$0x3FD0];
	(tm) =	ssettm $0x1  }
0x91: {  	s18 =	sld [smem:$0x3FFB];
	_ =	sdelay $0x3  }
0x92: {  	_ =	strace s18  }
0x93: {  	s3 =	sld [smem:$0x3FFC];
	_ =	sdelay $0x3  }
0x94: {  	_ =	strace s3  }
0x95: {  	s3 =	sld [smem:$0x3FFD];
	_ =	sdelay $0x3  }
0x96: {  	_ =	strace s3  }
0x97: {  	_ =	strace $0x8FFFFFFF  }
0x98: {  	s19 =	sld [smem:$0x3FDB];
	_ =	sdelay $0x1  }
0x99: {  	s4 =	simm.s32 $_scs_section_size  }
0x9a: {  	s5 =	simm.s32 $_size__tile_overlayer_lowered;
	s6 =	simm.s32 $_tile_overlayer_lowered  }
0x9b: {  	s22 =	simm.s32 $0x1BFF;
	s21 =	sshll.u32 s6, $0x1;
	s3 =	sadd.s32 s4, s19  }
0x9c: {  	s7 =	simm.s32 $0x0;
	s20 =	sshll.u32 s5, $0x1;
	s5 =	sadd.s32 s21, s3  }
0x9d: {  	[timem:s7], [sflag:s22] =	dma.local [hbm:s5], s20  }
0x9e: {  	_ =	swait.ge [sflag:s22], s20  }
0x9f: {  	s4 =	ssub.s32 $0x0, s20;
	[sflag:s22] =	ssyncset.done $0x0  }
0xa0: {  	[sflag:s22] =	ssyncadd.s32 s4;
	_ =	sdelay $0x1  }
0xa1: {  	s23 =	simm.s32 $0x1B8B  }
0xa2: {  	_ =	swait.ge [sflag:s23], $0x1  }
0xa3: {  	[sflag:s23] =	ssyncset.done $0x0  }
0xa4: {  	s25 =	simm.s32 $0x1B8E;
	s24 =	sld [smem:$0x3FFE];
	[sflag:s23] =	ssyncadd.s32 $0xFFFFFFFF  }
0xa5: {  	s26 =	simm.s32 $execute0_lowered;
	[smem:$0x3FD2] =	sst s25  }
0xa6: {  	s5 =	sshll.u32 s26, $0x1;
	_ =	strace $0x80000046;
	[dreg:$0x1] =	wrdreg $0xFFFFFFFF  }
0xa7: {  	s28 =	simm.s32 $_size_execute0_lowered;
	s3 =	sadd.s32 s3, s5;
	[dreg:$0x0] =	wrdreg $0x0  }
0xa8: {  	s5 =	sshll.u32 s28, $0x1;
	[dreg:$0x2] =	wrdreg s3  }
0xa9: {  	[dreg:$0x3] =	wrdreg s5  }
0xaa: {  	[dreg:$0x4] =	wrdreg $0xC0  }
0xab: {  	_ =	task [dreg:s7], $0x5FFFF  }
0xac: {  	[dreg:$0x1] =	wrdreg $0xFFFFFFFF  }
0xad: {  	[dreg:$0x0] =	wrdreg $0x60  }
0xae: {  	[dreg:$0x2] =	wrdreg s2  }
0xaf: {  	[dreg:$0x3] =	wrdreg s24  }
0xb0: {  	[dreg:$0x4] =	wrdreg $0x0  }
0xb1: {  	[dreg:$0x5] =	wrdreg $0x138C00  }
0xb2: {  	[dreg:$0x6] =	wrdreg $0x9  }
0xb3: {  	_ =	task.clear_ibuf [dreg:s7], $0x7FFFF;
	_ =	strace $0x90000046  }
0xb4: {  	s29 =	simm.s32 $0x9;
	_ =	strace $0x80000048  }
0xb5: {  	_ =	swait.ge [sflag:s29], $0x1  }
0xb6: {  	[sflag:s29] =	ssyncadd.s32 $0xFFFFFFFF  }
0xb7: {  	_ =	strace $0x90000048  }
0xb8: {  	_ =	sfence  }
0xb9: {  	s30 =	sld [smem:$0x0];
	_ =	sdelay $0x2  }
0xba: {  	s31 =	sshll.u32 s1, $0xD;
	s1 =	sshrl.u32 s1, $0x2  }
0xbb: {  	s3 =	sand.u32 $0x4000, s31;
	s1 =	sadd.s32 s1, s30  }
0xbc: {  	s0 =	sor.u32 s3, s0;
	s1 =	sshll.u32 s1, $0x11  }
0xbd: {  	s0 =	sor.u32 s1, s0  }
0xbe: {  	s0 =	sadd.s32 $0x8F2B, s0  }
0xbf: {  	[sflag:s0] =	ssyncadd.remote.s32 $0x1  }
0xc0: {  	_ =	sfence.sel $0xFFFF  }
0xc1: {  	[dreg:$0x0] =	wrdreg $0xFFFFFFFF;
	(pc) =	sbr.abs _section_cstart, $3  }
0xc2: {  	[dreg:$0x1] =	wrdreg $0xFFFFFFFF  }
0xc3: {  	_ =	task.clear_ibuf [dreg:s7], $0x2FFFF;
	_ =	strace $0x9FFFFFFF  }
0xc4: {  	(tm) =	ssettm $0x7FFFFFFF  }
0xc5: {  	_ =	shalt  }
tec
execute0_lowered:
.L_overlay_start_1:
0x0: {  	(tag) =	ssettag $0x1  }
0x1: {  	s1 =	rddreg [dreg:$0x0]  }
0x2: {  	s3 =	rddreg [dreg:$0x1]  }
0x3: {  	s2 =	rddreg [dreg:$0x2]  }
0x4: {  	s4 =	rddreg [dreg:$0x3];
	s5 =	simm.s32 $0x0;
	s0 =	srdreg.scid  }
0x5: {  	s13 =	stileid.u32;
	s29 =	simm.s32 $0xE;
	s30 =	simm.s32 $0x1  }
0x6: {  	s31 =	simm.s32 $0x50;
	[smem:$0x7FF] =	sst s5;
	s0 =	sand.u32 $0x1, s0  }
0x7: {  	s6 =	smul.u32 $0x2710, s13;
	s9 =	sadd.s32 $0xC200, s3;
	s18 =	sadd.s32 $0xBC00, s3  }
0x8: {  	s22 =	smul.u32 $0x4E200, s13;
	_ =	strace $0x80000047;
	[dreg:$0x5] =	wrdreg s9  }
0x9: {  	s19 =	sadd.s32 $0xBA00, s3;
	s24 =	smul.u32 $0x4E2, s13;
	[dreg:$0x6] =	wrdreg s18  }
0xa: {  	s8 =	sadd.s32 $0x1C00, s3;
	s7 =	smul.u32 $0x27100, s0;
	[dreg:$0x7] =	wrdreg s19  }
0xb: {  	s20 =	ssub.s32 $0x2, s0;
	s19 =	smul.u32 $0x9C40, s13;
	p0 =	sne.s32 s0, $0x0  }
0xc: {  	v0 =	vmov s0;
	s0 =	simm.s32 $0x0;
	s10 =	sshrl.u32 s6, $0x3;
	s11 =	sshrl.u32 s20, $0x1  }
0xd: {  	s26 =	sadd.s32 s6, s4;
	s7 =	sadd.s32 s6, s7;
	s11 =	ssub.s32 s20, s11  }
0xe: {  	s9 =	sadd.s32 s8, s10;
	s8 =	sadd.s32 s24, s8;
	s25 =	sshrl.u32 s19, $0x2  }
0xf: {  	s24 =	simm.s32 $0x2;
	s20 =	simm.s32 $0xD;
	s7 =	sadd.s32 s7, s3  }
0x10: {  	s3 =	sadd.s32 s10, s3;
	s10 =	sadd.s32 $0x4E20, s9;
	s21 =	sadd.s32 $0xA, s9  }
0x11: {  	s12 =	sadd.s32 $0x4E2A, s9;
	s23 =	sadd.s32 $0x14, s9;
	[dreg:$0x8] =	wrdreg s10  }
0x12: {  	s14 =	sadd.s32 $0x4E34, s9;
	s15 =	sadd.s32 $0x1E, s9;
	[dreg:$0x9] =	wrdreg s21  }
0x13: {  	s16 =	sadd.s32 $0x4E3E, s9;
	s17 =	sadd.s32 $0x28, s9;
	[dreg:$0xa] =	wrdreg s12  }
0x14: {  	s8 =	sadd.s32 $0x4E52, s8;
	s28 =	sadd.s32 $0x4E52, s9;
	[dreg:$0xb] =	wrdreg s23  }
.Ltmp0:
0x15: {  	[dreg:$0xc] =	wrdreg s14;
	s10 =	sshrl.u32 s22, $0x2;
	(pc) =	sbr.rel .LBB2_1-.Ltmp0, $4  }
0x16: {  	s19 =	sadd.s32 $0x13A00, s7;
	s3 =	sadd.s32 $0xEA00, s3;
	s21 =	smax.u32 s11, $0x1  }
0x17: {  	s18 =	sadd.s32 s10, s2;
	s10 =	sadd.s32 s25, s4;
	[dreg:$0xd] =	wrdreg s3  }
0x18: {  	s3 =	sshrl.u32 s26, $0x3;
	s25 =	sadd.s32 $0x4E48, s9;
	s26 =	sadd.s32 $0x32, s9  }
0x19: {  	s23 =	sshrl.u32 @!p0 s10, $0x3;
	[dreg:$0xe] =	wrdreg s3;
	s3 =	simm.s32 $0xB  }
.LBB2_12:
0x1a: {  	[bflag:$0x0] =	sbarrier.arrive $0xFFFF  }
0x1b: {  	[hbm:s19], [sflag:s6] =	dma.local [spmem:s7], $0x2710  }
0x1c: {  	_ =	swait.ge [sflag:s29], $0x2710  }
0x1d: {  	[sflag:s29] =	ssyncset.done $0x0  }
0x1e: {  	[sflag:s29] =	ssyncadd.s32 $0xFFFFD8F0  }
.LBB2_13:
0x1f: {  	s0 =	sadd.s32 $0x1, s0  }
0x20: {  	p1 =	sne.s32 s0, s21  }
.Ltmp1:
0x21: {  	_ = 	snop;
	(pc) =	sbr.rel @!p1 .LBB2_14-.Ltmp1, $1  }
0x22: {  	_ =	sdelay $0x3  }
.LBB2_1:
0x23: {  	s6 =	simm.s32 $0x15FD8  }
0x24: {  	[tilespmem:s6], [sflag:$0x1] =	stream.linear.gather [hbm4b:s9+s5], $0x50, $0x38;
	[tilespmem:$0x1E188] =	vst v63  }
0x25: {  	s22 =	rddreg [dreg:$0x8];
	s7 =	simm.s32 $0x161B8  }
0x26: {  	[tilespmem:s7], [sflag:$0x1] =	stream.linear.gather [hbm4b:s22+s5], $0x50, $0x38;
	[tilespmem:$0x1E188] =	vst v63  }
0x27: {  	s10 =	rddreg [dreg:$0x9];
	s11 =	simm.s32 $0x16028  }
0x28: {  	[tilespmem:s11], [sflag:$0x2] =	stream.linear.gather [hbm4b:s10+s5], $0x50, $0x38;
	[tilespmem:$0x1E188] =	vst v63  }
0x29: {  	s12 =	rddreg [dreg:$0xa];
	s13 =	simm.s32 $0x16208  }
0x2a: {  	[tilespmem:s13], [sflag:$0x2] =	stream.linear.gather [hbm4b:s12+s5], $0x50, $0x38;
	[tilespmem:$0x1E188] =	vst v63  }
0x2b: {  	s14 =	rddreg [dreg:$0xb];
	s22 =	simm.s32 $0x16078  }
0x2c: {  	[tilespmem:s22], [sflag:$0x3] =	stream.linear.gather [hbm4b:s14+s5], $0x50, $0x38;
	[tilespmem:$0x1E188] =	vst v63  }
0x2d: {  	s7 =	rddreg [dreg:$0xc];
	s10 =	simm.s32 $0x16258  }
0x2e: {  	[tilespmem:s10], [sflag:$0x3] =	stream.linear.gather [hbm4b:s7+s5], $0x50, $0x38;
	[tilespmem:$0x1E188] =	vst v63  }
0x2f: {  	s11 =	simm.s32 $0x160C8  }
0x30: {  	[tilespmem:s11], [sflag:$0x4] =	stream.linear.gather [hbm4b:s15+s5], $0x50, $0x38;
	[tilespmem:$0x1E188] =	vst v63  }
0x31: {  	s12 =	simm.s32 $0x162A8  }
0x32: {  	[tilespmem:s12], [sflag:$0x4] =	stream.linear.gather [hbm4b:s16+s5], $0x50, $0x38;
	[tilespmem:$0x1E188] =	vst v63  }
0x33: {  	s13 =	simm.s32 $0x16118  }
0x34: {  	[tilespmem:s13], [sflag:$0x5] =	stream.linear.gather [hbm4b:s17+s5], $0x50, $0x38;
	[tilespmem:$0x1E188] =	vst v63  }
0x35: {  	s14 =	simm.s32 $0x162F8  }
0x36: {  	[tilespmem:s14], [sflag:$0x5] =	stream.linear.gather [hbm4b:s25+s5], $0x50, $0x38;
	[tilespmem:$0x1E188] =	vst v63  }
0x37: {  	s22 =	simm.s32 $0x16168  }
0x38: {  	[tilespmem:s22], [sflag:$0x6] =	stream.linear.gather [hbm4b:s26+s5], $0x50, $0x38;
	[tilespmem:$0x1E188] =	vst v63  }
0x39: {  	s7 =	simm.s32 $0x16348  }
0x3a: {  	[tilespmem:s7], [sflag:$0x6] =	stream.linear.gather [hbm4b:s28+s5], $0x50, $0x38;
	[tilespmem:$0x1E188] =	vst v63  }
0x3b: {  	s10 =	rddreg [dreg:$0x7];
	s11 =	simm.s32 $0x1DC88;
	s12 =	stileid.u32  }
0x3c: {  	[tilespmem:s11], [sflag:$0xE] =	stream.linear.gather [hbm4b:s10+s5], $0x500, $0x38;
	[tilespmem:$0x1E188] =	vst v63  }
0x3d: {  	s6 =	sshll.u32 s12, $0x6;
	_ =	swait.ge [sflag:s29], $0x500  }
0x3e: {  	s6 =	sor.u32 $0x1C0E, s6;
	[sflag:s29] =	ssyncset.done $0x0  }
0x3f: {  	s7 =	sshrl.u32 s18, $0x3;
	s10 =	rddreg [dreg:$0x5];
	[sflag:s29] =	ssyncadd.s32 $0xFFFFFB00  }
0x40: {  	[spmem:s7], [sflag:s6] =	dma.local [hbm:s10], $0x2710  }
0x41: {  	_ =	swait.ge [sflag:s29], $0x2710  }
0x42: {  	[sflag:s29] =	ssyncset.done $0x0  }
0x43: {  	s10 =	rddreg [dreg:$0x6];
	[sflag:s29] =	ssyncadd.s32 $0xFFFFD8F0  }
0x44: {  	[spmem:s23], [sflag:s6] =	dma.local @!p0 [hbm:s10], $0x4E2  }
0x45: {  	s10 =	simm.s32 @!p0 $0xE  }
0x46: {  	_ =	swait.ge @!p0 [sflag:s10], $0x4E2  }
0x47: {  	[sflag:s10] =	ssyncset.done @!p0 $0x0  }
0x48: {  	[sflag:s10] =	ssyncadd.s32 @!p0 $0xFFFFFB1E  }
0x49: {  	[bflag:$0x0] =	sbarrier.arrive $0xFFFF  }
0x4a: {  	_ =	swait.ge [sflag:s30], $0x50  }
0x4b: {  	[sflag:s30] =	ssyncset.done $0x0  }
0x4c: {  	[sflag:s30] =	ssyncadd.s32 $0xFFFFFFB0  }
0x4d: {  	_ =	swait.ge [sflag:s30], $0x50  }
0x4e: {  	[sflag:s30] =	ssyncset.done $0x0  }
0x4f: {  	[sflag:s30] =	ssyncadd.s32 $0xFFFFFFB0  }
0x50: {  	v1 =	vld [tilespmem:$0x161B8]  }
0x51: {  	v2 =	vld [tilespmem:$0x161C8]  }
0x52: {  	v3 =	vld [tilespmem:$0x161D8]  }
0x53: {  	v4 =	vld [tilespmem:$0x161E8]  }
0x54: {  	v5 =	vld [tilespmem:$0x161F8]  }
0x55: {  	v1 =	vshll.u32 v1, $0x1  }
0x56: {  	v2 =	vshll.u32 v2, $0x1;
	v1 =	vor.u32 v0, v1  }
0x57: {  	[tilespmem:$0x16398] =	vst v1;
	v1 =	vor.u32 v0, v2;
	v2 =	vshll.u32 v3, $0x1  }
0x58: {  	[tilespmem:$0x163A8] =	vst v1;
	v1 =	vor.u32 v0, v2;
	v2 =	vshll.u32 v4, $0x1  }
0x59: {  	[tilespmem:$0x163B8] =	vst v1;
	v1 =	vor.u32 v0, v2;
	v2 =	vshll.u32 v5, $0x1  }
0x5a: {  	[tilespmem:$0x163C8] =	vst v1;
	v1 =	vor.u32 v0, v2  }
0x5b: {  	s13 =	simm.s32 $0x16398;
	s11 =	simm.s32 $0x16488;
	[tilespmem:$0x163D8] =	vst v1  }
0x5c: {  	[tilespmem:s11], [sflag:$0x7] =	stream.indirect.gather [hbm4b:s1+s31], $0x80, s13, s31, $0xb8;
	[tilespmem:$0x1E188] =	vst v63  }
0x5d: {  	_ =	swait.ge [sflag:s24], $0x50  }
0x5e: {  	[sflag:s24] =	ssyncset.done $0x0  }
0x5f: {  	[sflag:s24] =	ssyncadd.s32 $0xFFFFFFB0  }
0x60: {  	_ =	swait.ge [sflag:s24], $0x50  }
0x61: {  	[sflag:s24] =	ssyncset.done $0x0  }
0x62: {  	[sflag:s24] =	ssyncadd.s32 $0xFFFFFFB0  }
0x63: {  	v1 =	vld [tilespmem:$0x16208]  }
0x64: {  	v2 =	vld [tilespmem:$0x16218]  }
0x65: {  	v3 =	vld [tilespmem:$0x16228]  }
0x66: {  	v62 =	vld [tilespmem:$0x16238]  }
0x67: {  	v63 =	vld [tilespmem:$0x16248]  }
0x68: {  	v1 =	vshll.u32 v1, $0x1  }
0x69: {  	v2 =	vshll.u32 v2, $0x1;
	v1 =	vor.u32 v0, v1  }
0x6a: {  	[tilespmem:$0x163E8] =	vst v1;
	v1 =	vor.u32 v0, v2;
	v2 =	vshll.u32 v3, $0x1  }
0x6b: {  	[tilespmem:$0x163F8] =	vst v1;
	v1 =	vor.u32 v0, v2;
	v2 =	vshll.u32 v62, $0x1  }
.Ltmp2:
0x6c: {  	[tilespmem:$0x16408] =	vst v1;
	v1 =	vor.u32 v0, v2;
	v2 =	vshll.u32 v63, $0x1;
	(pc) =	sbr.rel .LBB2_2-.Ltmp2, $4  }
0x6d: {  	[tilespmem:$0x16418] =	vst v1;
	v1 =	vor.u32 v0, v2  }
0x6e: {  	s14 =	simm.s32 $0x163E8;
	s22 =	simm.s32 $0x18C88;
	[tilespmem:$0x16428] =	vst v1  }
0x6f: {  	[tilespmem:s22], [sflag:$0x8] =	stream.indirect.gather [hbm4b:s1+s31], $0x80, s14, s31, $0xb8;
	[tilespmem:$0x1E188] =	vst v63  }
0x70: {  	s10 =	simm.s32 $0x0;
	s22 =	smov.u32 s8  }
.LBB2_4:
0x71: {  	s12 =	sshrl.u32 s12, $0xA  }
0x72: {  	s12 =	smul.u32 $0x6, s12;
	_ =	sdelay $0x1  }
0x73: {  	s11 =	ssub.s32 s11, s12  }
0x74: {  	s11 =	sand.u32 $0xFF, s11  }
0x75: {  	s12 =	smul.u32 $0x50, s11;
	_ =	sdelay $0x1  }
0x76: {  	s14 =	sadd.s32 $0xFFFFB1E0, s22;
	s11 =	sadd.s32 $0x1, s11;
	s13 =	sadd.s32 $0x15FD8, s12  }
0x77: {  	[tilespmem:s13], [sflag:s11] =	stream.linear.gather [hbm4b:s14+s5], $0x50, $0x38;
	[tilespmem:$0x1E188] =	vst v63  }
0x78: {  	s12 =	sadd.s32 $0x161B8, s12  }
0x79: {  	[tilespmem:s12], [sflag:s11] =	stream.linear.gather [hbm4b:s22+s5], $0x50, $0x38;
	[tilespmem:$0x1E188] =	vst v63  }
.LBB2_6:
0x7a: {  	s11 =	sadd.s32 $0x2, s10  }
0x7b: {  	s12 =	sand.u32 $0xFF, s11  }
0x7c: {  	s12 =	smul.u32 $0xAB, s12;
	_ =	sdelay $0x1  }
0x7d: {  	s13 =	sshrl.u32 s12, $0xA  }
0x7e: {  	s13 =	smul.u32 $0x6, s13;
	_ =	sdelay $0x1  }
0x7f: {  	s13 =	ssub.s32 s11, s13  }
0x80: {  	s13 =	sand.u32 $0xFF, s13  }
0x81: {  	s14 =	sadd.s32 $0x1, s13  }
0x82: {  	_ =	swait.ge [sflag:s14], $0x50  }
0x83: {  	[sflag:s14] =	ssyncset.done $0x0  }
0x84: {  	[sflag:s14] =	ssyncadd.s32 $0xFFFFFFB0  }
0x85: {  	s13 =	smul.u32 $0x140, s13;
	_ =	swait.ge [sflag:s14], $0x50  }
0x86: {  	[sflag:s14] =	ssyncset.done $0x0  }
0x87: {  	s12 =	sshrl.u32 s12, $0x9;
	s13 =	sshrl.u32 s13, $0x2;
	[sflag:s14] =	ssyncadd.s32 $0xFFFFFFB0  }
0x88: {  	s12 =	smul.u32 $0x3, s12;
	v1 =	vld [tilespmem:s13+$0x161B8];
	_ =	sdelay $0x1  }
0x89: {  	s11 =	ssub.s32 s11, s12  }
0x8a: {  	s11 =	sand.u32 $0xFF, s11  }
0x8b: {  	s14 =	smul.u32 $0x140, s11  }
0x8c: {  	v1 =	vshll.u32 v1, $0x1  }
0x8d: {  	s12 =	sshrl.u32 s14, $0x2;
	v1 =	vor.u32 v0, v1  }
0x8e: {  	[tilespmem:s12+$0x16398] =	vst v1  }
0x8f: {  	v1 =	vld [tilespmem:s13+$0x161C8];
	_ =	sdelay $0x4  }
0x90: {  	v1 =	vshll.u32 v1, $0x1  }
0x91: {  	v1 =	vor.u32 v0, v1  }
0x92: {  	[tilespmem:s12+$0x163A8] =	vst v1  }
0x93: {  	v1 =	vld [tilespmem:s13+$0x161D8];
	_ =	sdelay $0x4  }
0x94: {  	v1 =	vshll.u32 v1, $0x1  }
0x95: {  	v1 =	vor.u32 v0, v1  }
0x96: {  	[tilespmem:s12+$0x163B8] =	vst v1  }
0x97: {  	v1 =	vld [tilespmem:s13+$0x161E8];
	_ =	sdelay $0x4  }
0x98: {  	v1 =	vshll.u32 v1, $0x1  }
0x99: {  	v1 =	vor.u32 v0, v1  }
0x9a: {  	[tilespmem:s12+$0x163C8] =	vst v1  }
0x9b: {  	v1 =	vld [tilespmem:s13+$0x161F8];
	_ =	sdelay $0x3  }
0x9c: {  	s14 =	smul.u32 $0xA000, s11  }
0x9d: {  	v1 =	vshll.u32 v1, $0x1  }
0x9e: {  	s13 =	sshrl.u32 s14, $0x2;
	v1 =	vor.u32 v0, v1  }
0x9f: {  	s11 =	sadd.s32 $0x7, s11;
	s14 =	sadd.s32 $0x16398, s12;
	s13 =	sadd.s32 $0x16488, s13;
	[tilespmem:s12+$0x163D8] =	vst v1  }
0xa0: {  	[tilespmem:s13], [sflag:s11] =	stream.indirect.gather [hbm4b:s1+s31], $0x80, s14, s31, $0xb8;
	[tilespmem:$0x1E188] =	vst v63  }
.LBB2_7:
0xa1: {  	s11 =	sand.u32 $0xFF, s10  }
0xa2: {  	s11 =	smul.u32 $0xAB, s11;
	_ =	sdelay $0x1  }
0xa3: {  	s12 =	sshrl.u32 s11, $0x9  }
0xa4: {  	s11 =	sshrl.u32 s11, $0xA;
	s12 =	smul.u32 $0x3, s12  }
0xa5: {  	s11 =	smul.u32 $0x6, s11  }
0xa6: {  	s12 =	ssub.s32 s10, s12  }
0xa7: {  	s11 =	ssub.s32 s10, s11;
	s12 =	sand.u32 $0xFF, s12  }
0xa8: {  	s10 =	sadd.s32 $0x1, s10;
	s11 =	sand.u32 $0xFF, s11;
	s13 =	smul.u32 $0xA000, s12  }
0xa9: {  	p1 =	sne.s32 s10, $0x7D;
	s14 =	sadd.s32 $0x7, s12;
	s11 =	smul.u32 $0x140, s11  }
0xaa: {  	s12 =	sadd.s32 $0xA, s12;
	_ =	swait.ge [sflag:s14], $0x2800;
	s13 =	sshrl.u32 s13, $0x2  }
.Ltmp3:
0xab: {  	[sflag:s14] =	ssyncset.done $0x0;
	s11 =	sshrl.u32 s11, $0x2;
	(pc) =	sbr.rel @!p1 .LBB2_8-.Ltmp3, $4  }
0xac: {  	s13 =	sadd.s32 $0x16488, s13;
	[sflag:s14] =	ssyncadd.s32 $0xFFFFD800;
	s11 =	sadd.s32 $0x15FD8, s11  }
0xad: {  	[spmem:s2] =	stream.indirect.scatter.add.f32 [tilespmem:s13], [sflag:s12], $0x80, s11, s31, $0xb8;
	[tilespmem:$0x1E188] =	vst v63  }
0xae: {  	s22 =	sadd.s32 $0xA, s22;
	s12 =	simm.s32 @!p0 $0x50;
	s13 =	simm.s32 @!p0 $0x1DC88  }
0xaf: {  	[spmem:s4] =	stream.indirect.scatter.add.f32 @!p0 [tilespmem:s13], [sflag:$0xD], $0x10, s11, s12, $0xb8;
	[tilespmem:$0x1E188] =	vst v63  }
.LBB2_2:
0xb0: {  	p1 =	seq.s32 s10, $0x0  }
.Ltmp4:
0xb1: {  	_ = 	snop;
	(pc) =	sbr.rel @p1 .LBB2_6-.Ltmp4, $1  }
0xb2: {  	_ =	sdelay $0x3  }
0xb3: {  	s11 =	sadd.s32 $0xFFFFFFFF, s10  }
0xb4: {  	s12 =	sand.u32 $0xFF, s11  }
0xb5: {  	s12 =	smul.u32 $0xAB, s12;
	_ =	sdelay $0x1  }
0xb6: {  	s13 =	sshrl.u32 s12, $0x9  }
0xb7: {  	s13 =	smul.u32 $0x3, s13;
	_ =	sdelay $0x1  }
0xb8: {  	p1 =	sgt.u32 s10, $0x77;
	s13 =	ssub.s32 s11, s13  }
.Ltmp5:
0xb9: {  	s13 =	sand.u32 $0xFF, s13;
	(pc) =	sbr.rel @!p1 .LBB2_4-.Ltmp5, $4  }
0xba: {  	s13 =	sadd.s32 $0xA, s13  }
0xbb: {  	_ =	swait.ge [sflag:s13], $0x2800  }
0xbc: {  	[sflag:s13] =	ssyncset.done $0x0  }
0xbd: {  	[sflag:s13] =	ssyncadd.s32 $0xFFFFD800  }
0xbe: {  	p1 =	sgt.u32 s10, $0x7A  }
.Ltmp6:
0xbf: {  	_ = 	snop;
	(pc) =	sbr.rel @p1 .LBB2_7-.Ltmp6, $4  }
.Ltmp7:
0xc0: {  	_ = 	snop;
	(pc) =	sbr.rel @!p1 .LBB2_6-.Ltmp7, $4  }
0xc1: {  	_ = 	snop  }
0xc2: {  	_ = 	snop  }
0xc3: {  	_ = 	snop  }
0xc4: {  	_ = 	snop  }
.LBB2_8:
.Ltmp8:
0xc5: {  	(pc) =	sbr.rel @p0 .LBB2_12-.Ltmp8, $4  }
0xc6: {  	_ = 	snop  }
0xc7: {  	_ =	swait.ge [sflag:s3], $0x2800  }
0xc8: {  	[sflag:s3] =	ssyncset.done $0x0  }
0xc9: {  	s10 =	simm.s32 $0x7D;
	[sflag:s3] =	ssyncadd.s32 $0xFFFFD800  }
0xca: {  	_ =	swait.ge [sflag:s20], $0x500  }
0xcb: {  	s10 =	sadd.s32 $0xFFFFFFFF, s10;
	[sflag:s20] =	ssyncset.done $0x0  }
.LBB2_10:
0xcc: {  	p1 =	sne.s32 s10, $0x1;
	s10 =	sadd.s32 $0xFFFFFFFF, s10;
	[sflag:s20] =	ssyncadd.s32 $0xFFFFFB00  }
.Ltmp9:
0xcd: {  	(pc) =	sbr.rel @p1 .LBB2_10-.Ltmp9, $3  }
0xce: {  	_ =	sdelay $0x1  }
0xcf: {  	_ =	swait.ge [sflag:s20], $0x500  }
0xd0: {  	[sflag:s20] =	ssyncset.done $0x0  }
0xd1: {  	[sflag:s20] =	ssyncadd.s32 $0xFFFFFB00  }
0xd2: {  	[bflag:$0x0] =	sbarrier.arrive $0xFFFF  }
0xd3: {  	[hbm:s19], [sflag:s6] =	dma.local [spmem:s7], $0x2710  }
0xd4: {  	_ =	swait.ge [sflag:s29], $0x2710  }
0xd5: {  	[sflag:s29] =	ssyncset.done $0x0;
	s22 =	rddreg [dreg:$0xd]  }
.Ltmp10:
0xd6: {  	s10 =	rddreg [dreg:$0xe];
	[sflag:s29] =	ssyncadd.s32 $0xFFFFD8F0;
	(pc) =	sbr.rel .LBB2_13-.Ltmp10, $4  }
0xd7: {  	[hbm:s22], [sflag:s6] =	dma.local [spmem:s10], $0x4E2  }
0xd8: {  	_ =	swait.ge [sflag:s29], $0x4E2  }
0xd9: {  	[sflag:s29] =	ssyncset.done $0x0  }
0xda: {  	[sflag:s29] =	ssyncadd.s32 $0xFFFFFB1E  }
.LBB2_14:
0xdb: {  	_ =	sfence.sel $0x180000  }
0xdc: {  	[bflag:$0x0] =	sbarrier.arrive $0xFFFF  }
0xdd: {  	_ =	strace $0x90000047  }
0xde: {  	s0 =	stileid.u32;
	[bflag:$0x2] =	sbarrier.arrive $0xFFFF  }
0xdf: {  	p0 =	sne.s32 s0, $0x0;
	s0 =	rddreg [dreg:$0x4]  }
0xe0: {  	s0 =	sadd.s32 @!p0 $0x100000, s0  }
0xe1: {  	[sflag:s0] =	ssyncadd.tile.s32 @!p0 $0x1;
	_ =	shalt  }
.Lfunc_end2:
_tile_overlayer_lowered:
.L_overlay_start_2:
0xe2: {  	(tag) =	ssettag $0x2  }
0xe3: {  	s0 =	rddreg [dreg:$0x0];
	s2 =	stileid.u32  }
0xe4: {  	s1 =	rddreg [dreg:$0x1];
	p0 =	sne.s32 s2, $0x0  }
0xe5: {  	s3 =	rddreg [dreg:$0x2];
	[bflag:$0x3] =	sbarrier.arrive $0xFFFF;
	s2 =	simm.s32 @!p0 $0x1C0E  }
0xe6: {  	[timem:s3], [sflag:s2] =	dma.local @!p0 [hbm:s0], s1  }
0xe7: {  	s0 =	simm.s32 @!p0 $0xE  }
0xe8: {  	_ =	swait.ge @!p0 [sflag:s0], s1  }
0xe9: {  	s1 =	ssub.s32 @!p0 $0x0, s1;
	[sflag:s0] =	ssyncset.done @!p0 $0x0  }
0xea: {  	[sflag:s0] =	ssyncadd.s32 @!p0 s1  }
0xeb: {  	[bflag:$0x3] =	sbarrier.arrive $0xFFFF  }
0xec: {  	_ =	shalt  }

</sc_bundles>
